<compile_context>
chip_gen: v7x
topology: tpu7x:2x2x1
jax: 0.10.2.dev20260603
libtpu: 0.0.44.dev20260713+nightly
codegen_flags: <defaults>
</compile_context>

<pallas_src>
import functools

import jax
import jax.numpy as jnp
from jax import lax
from jax.experimental import pallas as pl
from jax.experimental.pallas import tpu as pltpu
from jax.experimental.pallas import tpu_sc as plsc

N_NODES = 10000
N_EDGES = 320000
D = 128

NC = 2
NS = 16
NW = NC * NS

CHUNK = 128
NCH = 80
E_PAD = NW * CHUNK * NCH
NCH0 = 152
NCH1 = 8
NCHMAX = max(NCH0, NCH1)
SEGLEN = 8
NBUF = 2
N_ACC = 10240
TRASH = N_NODES
ROWS_PER_TILE = N_ACC // NS

_mesh = plsc.VectorSubcoreMesh(core_axis_name="c", subcore_axis_name="s",
                               num_cores=NC, num_subcores=NS)


def _deg_body(dst_hbm, onehot_hbm, zeros_hbm, out_hbm, dst_v, ones_v, acc):
    c = lax.axis_index("c")
    s = lax.axis_index("s")
    w = c * NS + s
    pltpu.sync_copy(dst_hbm.at[w], dst_v)
    pltpu.sync_copy(onehot_hbm, ones_v)
    r0 = s * ROWS_PER_TILE
    pltpu.sync_copy(zeros_hbm.at[pl.ds(r0, ROWS_PER_TILE)],
                    acc.at[pl.ds(r0, ROWS_PER_TILE)])
    plsc.subcore_barrier()

    def step(j, carry):
        pltpu.sync_copy(ones_v, acc.at[dst_v.at[j]], add=True)
        return carry

    lax.fori_loop(0, NCH, step, 0, unroll=False)
    plsc.subcore_barrier()
    pltpu.sync_copy(acc.at[pl.ds(r0, ROWS_PER_TILE)],
                    out_hbm.at[c, pl.ds(r0, ROWS_PER_TILE)])


def _scatter_body(src_hbm, dst_hbm, lins_hbm, zeros_hbm, out_hbm,
                  src_v, dst_v, b0, b1, acc, sem):
    c = lax.axis_index("c")
    s = lax.axis_index("s")
    w = c * NS + s
    n_seg = jnp.where(c == 0, NCH0 // SEGLEN, NCH1 // SEGLEN)
    r0 = s * ROWS_PER_TILE
    pltpu.sync_copy(zeros_hbm.at[pl.ds(r0, ROWS_PER_TILE)],
                    acc.at[pl.ds(r0, ROWS_PER_TILE)])
    plsc.subcore_barrier()
    bufs = [b0, b1]

    def seg_body(sg, carry):
        pltpu.sync_copy(src_hbm.at[w, pl.ds(sg * SEGLEN, SEGLEN)], src_v)
        pltpu.sync_copy(dst_hbm.at[w, pl.ds(sg * SEGLEN, SEGLEN)], dst_v)

        def grp(t, carry2):
            descs = []
            for b in range(NBUF):
                descs.append(pltpu.async_copy(
                    lins_hbm.at[src_v.at[NBUF * t + b]], bufs[b], sem))
            for d_ in descs:
                d_.wait()
            for b in range(NBUF):
                pltpu.sync_copy(bufs[b], acc.at[dst_v.at[NBUF * t + b]],
                                add=True)
            return carry2

        lax.fori_loop(0, SEGLEN // NBUF, grp, 0, unroll=False)
        return carry

    lax.fori_loop(0, n_seg, seg_body, 0, unroll=False)
    plsc.subcore_barrier()
    pltpu.sync_copy(acc.at[pl.ds(r0, ROWS_PER_TILE)],
                    out_hbm.at[c, pl.ds(r0, ROWS_PER_TILE)])


def _make_sc_kernels(interpret=False):
    deg = pl.kernel(
        _deg_body,
        out_type=jax.ShapeDtypeStruct((NC, N_ACC, 128), jnp.float32),
        mesh=_mesh,
        scratch_types=[
            pltpu.VMEM((NCH, CHUNK), jnp.int32),
            pltpu.VMEM((CHUNK, 128), jnp.float32),
            pltpu.VMEM_SHARED((N_ACC, 128), jnp.float32),
        ],
        interpret=interpret,
    )
    scat = pl.kernel(
        _scatter_body,
        out_type=jax.ShapeDtypeStruct((NC, N_ACC, D), jnp.float32),
        mesh=_mesh,
        scratch_types=(
            [pltpu.VMEM((SEGLEN, CHUNK), jnp.int32)] * 2
            + [pltpu.VMEM((CHUNK, D), jnp.float32)] * NBUF
            + [pltpu.VMEM_SHARED((N_ACC, D), jnp.float32)]
            + [pltpu.SemaphoreType.DMA]
        ),
        interpret=interpret,
    )
    return deg, scat


_deg_kernel, _scatter_kernel = _make_sc_kernels()


def _lins_body(x_ref, w_ref, d0_ref, d1_ref, o_ref):
    deg = d0_ref[:, 0:1] + d1_ref[:, 0:1] + 1.0
    dinv = lax.rsqrt(deg)
    lin = jnp.dot(x_ref[...], w_ref[...], preferred_element_type=jnp.float32)
    o_ref[...] = lin * dinv


def _lins_call(x, W, d0, d1):
    nb = 10
    rb = N_NODES // nb
    return pl.pallas_call(
        _lins_body,
        grid=(nb,),
        in_specs=[
            pl.BlockSpec((rb, D), lambda i: (i, 0)),
            pl.BlockSpec((D, D), lambda i: (0, 0)),
            pl.BlockSpec((rb, D), lambda i: (i, 0)),
            pl.BlockSpec((rb, D), lambda i: (i, 0)),
        ],
        out_specs=pl.BlockSpec((rb, D), lambda i: (i, 0)),
        out_shape=jax.ShapeDtypeStruct((N_NODES, D), jnp.float32),
    )(x, W, d0, d1)


def _out_body(p0_ref, p1_ref, lins_ref, d0_ref, d1_ref, b_ref, o_ref):
    deg = d0_ref[:, 0:1] + d1_ref[:, 0:1] + 1.0
    dinv = lax.rsqrt(deg)
    tot = (p0_ref[...] + p1_ref[...] + lins_ref[...]) * dinv + b_ref[...]
    o_ref[...] = jnp.maximum(tot, 0.0)


def _out_call(p0, p1, lins, d0, d1, b):
    nb = 10
    rb = N_NODES // nb
    return pl.pallas_call(
        _out_body,
        grid=(nb,),
        in_specs=[
            pl.BlockSpec((rb, D), lambda i: (i, 0)),
            pl.BlockSpec((rb, D), lambda i: (i, 0)),
            pl.BlockSpec((rb, D), lambda i: (i, 0)),
            pl.BlockSpec((rb, D), lambda i: (i, 0)),
            pl.BlockSpec((rb, D), lambda i: (i, 0)),
            pl.BlockSpec((1, D), lambda i: (0, 0)),
        ],
        out_specs=pl.BlockSpec((rb, D), lambda i: (i, 0)),
        out_shape=jax.ShapeDtypeStruct((N_NODES, D), jnp.float32),
    )(p0, p1, lins, d0, d1, b)


@jax.jit
def kernel(x, edge_index, W, b):
    src = edge_index[0].astype(jnp.int32)
    dst = edge_index[1].astype(jnp.int32)
    pad = E_PAD - N_EDGES
    src_p = jnp.concatenate([src, jnp.zeros((pad,), jnp.int32)])
    dst_p = jnp.concatenate([dst, jnp.full((pad,), TRASH, jnp.int32)])
    src_t = src_p.reshape(NW, NCH, CHUNK)
    dst_t = dst_p.reshape(NW, NCH, CHUNK)

    n0 = NS * NCH0 * CHUNK
    def _split(flat, fill):
        a0 = flat[:n0].reshape(NS, NCH0, CHUNK)
        a1 = flat[n0:].reshape(NS, NCH1, CHUNK)
        a0p = jnp.pad(a0, ((0, 0), (0, NCHMAX - NCH0), (0, 0)),
                      constant_values=fill)
        a1p = jnp.pad(a1, ((0, 0), (0, NCHMAX - NCH1), (0, 0)),
                      constant_values=fill)
        return jnp.concatenate([a0p, a1p], axis=0)
    src_u = _split(src_p, 0)
    dst_u = _split(dst_p, TRASH)

    onehot = jnp.zeros((CHUNK, 128), jnp.float32).at[:, 0].set(1.0)
    zeros16 = jnp.zeros((N_ACC, 128), jnp.float32)
    zerosD = jnp.zeros((N_ACC, D), jnp.float32)

    degacc = _deg_kernel(dst_t, onehot, zeros16)
    d0 = degacc[0]
    d1 = degacc[1]

    lins = _lins_call(x, W, d0[:N_NODES], d1[:N_NODES])

    parts = _scatter_kernel(src_u, dst_u, lins, zerosD)

    return _out_call(parts[0, :N_NODES], parts[1, :N_NODES], lins,
                     d0[:N_NODES], d1[:N_NODES], b.reshape(1, D))

# --- scband reference (transcript-rebuilt; emitter-appended) ---
"""Pipeline reference for scband-gcn-en-49323404427441 (READ-ONLY COPY).

The authoritative reference and input builder live on the scoring server;
editing this copy changes nothing except your own understanding.
"""

import jax, jax.numpy as jnp
import numpy as np

N_NODES = 10000
N_EDGES = 320000
D_IN = 128
D_OUT = 128


def setup_inputs(seed: int = 0) -> dict:
    key = jax.random.key(seed)
    k1, k2, k3, k4 = jax.random.split(key, 4)
    x = jax.random.normal(k1, (N_NODES, D_IN), dtype=jnp.float32)
    edge_index = jax.random.randint(k2, (2, N_EDGES), 0, N_NODES, dtype=jnp.int64)
    # GCNConv learned parameters (glorot-like init)
    W = jax.random.normal(k3, (D_IN, D_OUT), dtype=jnp.float32) * (1.0 / np.sqrt(D_IN))
    b = jnp.zeros((D_OUT,), dtype=jnp.float32)
    return {"x": x, "edge_index": edge_index, "W": W, "b": b}


def reference(x, edge_index, W, b):
    # GCNConv: out = D^{-1/2} (A + I) D^{-1/2} (X W) + b, followed by ReLU.
    # Dropout is identity in eval mode (training=False).
    n = x.shape[0]
    lin = x @ W
    # add self-loops
    loops = jnp.arange(n, dtype=edge_index.dtype)
    src = jnp.concatenate([edge_index[0], loops])
    dst = jnp.concatenate([edge_index[1], loops])
    # symmetric normalization
    ones = jnp.ones_like(dst, dtype=lin.dtype)
    deg = jax.ops.segment_sum(ones, dst, num_segments=n)
    deg_inv_sqrt = jnp.where(deg > 0, jax.lax.rsqrt(jnp.maximum(deg, 1e-12)), 0.0)
    norm = deg_inv_sqrt[src] * deg_inv_sqrt[dst]
    # message passing: gather from src, scale, scatter-add to dst
    msg = norm[:, None] * jnp.take(lin, src, axis=0)
    out = jax.ops.segment_sum(msg, dst, num_segments=n) + b
    out = jax.nn.relu(out)
    return out

if __name__ == "__main__":
    import jax
    _d = setup_inputs()
    print(jax.jit(kernel)(*tuple(_d.values())))

</pallas_src>

<mosaic_0001>
#map = affine_map<(d0, d1) -> (0, 0, 0)>
#map1 = affine_map<(d0, d1) -> (0, 0)>
module attributes {stable_mosaic.version = 14 : i64} {
  func.func @_deg_body(%arg0: i32, %arg1: i32, %arg2: memref<32x80x128xi32, #tpu.memory_space<hbm>>, %arg3: memref<128x128xf32, #tpu.memory_space<hbm>>, %arg4: memref<10240x128xf32, #tpu.memory_space<hbm>>, %arg5: memref<2x10240x128xf32, #tpu.memory_space<hbm>>, %arg6: memref<80x128xi32, #tpu.memory_space<vmem>>, %arg7: memref<128x128xf32, #tpu.memory_space<vmem>>, %arg8: memref<10240x128xf32, #tpu.memory_space<vmem_shared>>) attributes {dimension_semantics = [#tpu.dimension_semantics<core_parallel>, #tpu.dimension_semantics<subcore_parallel>], iteration_bounds = array<i64: 2, 16>, scalar_prefetch = 0 : i64, scratch_operands = 3 : i64, tpu.core_type = #tpu.core_type<sc_vector_subcore>, window_params = [{transform_indices = #map}, {transform_indices = #map1}, {transform_indices = #map1}, {transform_indices = #map}]} {
    %mul3A = arith.constant 16 : i32
    %mul3A_0 = arith.muli %arg0, %mul3A : i32
    %add3A = arith.addi %mul3A_0, %arg1 : i32
    "tpu.region"() ({
      %run_scoped3A = tpu.sem_alloc : memref<!tpu.dma_semaphore, #tpu.memory_space<semaphore_mem>>
      %dma_start3A = arith.constant 0 : i32
      %dma_start3A_9 = arith.constant 0 : i32
      %dma_start3A_10 = tpu.memref_slice %arg2[%add3A, %dma_start3A, %dma_start3A_9] : memref<32x80x128xi32, #tpu.memory_space<hbm>> -> memref<1x80x128xi32, #tpu.memory_space<hbm>>
      %dma_start3A_11 = tpu.memref_squeeze %dma_start3A_10 : memref<1x80x128xi32, #tpu.memory_space<hbm>> -> memref<80x128xi32, #tpu.memory_space<hbm>>
      %dma_start3A_12 = arith.constant 0 : i32
      %dma_start3A_13 = arith.constant 0 : i32
      %dma_start3A_14 = tpu.memref_slice %arg2[%add3A, %dma_start3A_12, %dma_start3A_13] : memref<32x80x128xi32, #tpu.memory_space<hbm>> -> memref<1x80x128xi32, #tpu.memory_space<hbm>>
      %dma_start3A_15 = tpu.memref_squeeze %dma_start3A_14 : memref<1x80x128xi32, #tpu.memory_space<hbm>> -> memref<80x128xi32, #tpu.memory_space<hbm>>
      tpu.enqueue_dma source(%dma_start3A_15 : memref<80x128xi32, #tpu.memory_space<hbm>>) target(%arg6 : memref<80x128xi32, #tpu.memory_space<vmem>>) target_semaphore(%run_scoped3A : memref<!tpu.dma_semaphore, #tpu.memory_space<semaphore_mem>>)
      %dma_wait3A = arith.constant 0 : i32
      %dma_wait3A_16 = arith.constant 0 : i32
      %dma_wait3A_17 = tpu.memref_slice %arg2[%add3A, %dma_wait3A, %dma_wait3A_16] : memref<32x80x128xi32, #tpu.memory_space<hbm>> -> memref<1x80x128xi32, #tpu.memory_space<hbm>>
      %dma_wait3A_18 = tpu.memref_squeeze %dma_wait3A_17 : memref<1x80x128xi32, #tpu.memory_space<hbm>> -> memref<80x128xi32, #tpu.memory_space<hbm>>
      %dma_wait3A_19 = arith.constant 0 : i32
      %dma_wait3A_20 = arith.constant 0 : i32
      %dma_wait3A_21 = tpu.memref_slice %arg2[%add3A, %dma_wait3A_19, %dma_wait3A_20] : memref<32x80x128xi32, #tpu.memory_space<hbm>> -> memref<1x80x128xi32, #tpu.memory_space<hbm>>
      %dma_wait3A_22 = tpu.memref_squeeze %dma_wait3A_21 : memref<1x80x128xi32, #tpu.memory_space<hbm>> -> memref<80x128xi32, #tpu.memory_space<hbm>>
      tpu.wait_dma2 semaphore(%run_scoped3A : memref<!tpu.dma_semaphore, #tpu.memory_space<semaphore_mem>>) src(%dma_wait3A_22 : memref<80x128xi32, #tpu.memory_space<hbm>>) dst(%arg6 : memref<80x128xi32, #tpu.memory_space<vmem>>)
      tpu.yield
    }) : () -> ()
    "tpu.region"() ({
      %run_scoped3A = tpu.sem_alloc : memref<!tpu.dma_semaphore, #tpu.memory_space<semaphore_mem>>
      tpu.enqueue_dma source(%arg3 : memref<128x128xf32, #tpu.memory_space<hbm>>) target(%arg7 : memref<128x128xf32, #tpu.memory_space<vmem>>) target_semaphore(%run_scoped3A : memref<!tpu.dma_semaphore, #tpu.memory_space<semaphore_mem>>)
      tpu.wait_dma2 semaphore(%run_scoped3A : memref<!tpu.dma_semaphore, #tpu.memory_space<semaphore_mem>>) src(%arg3 : memref<128x128xf32, #tpu.memory_space<hbm>>) dst(%arg7 : memref<128x128xf32, #tpu.memory_space<vmem>>)
      tpu.yield
    }) : () -> ()
    %mul3A_1 = arith.constant 640 : i32
    %mul3A_2 = arith.muli %arg1, %mul3A_1 : i32
    "tpu.region"() ({
      %run_scoped3A = tpu.sem_alloc : memref<!tpu.dma_semaphore, #tpu.memory_space<semaphore_mem>>
      %dma_start3A = arith.constant 0 : i32
      %dma_start3A_9 = tpu.memref_slice %arg8[%mul3A_2, %dma_start3A] : memref<10240x128xf32, #tpu.memory_space<vmem_shared>> -> memref<640x128xf32, #tpu.memory_space<vmem_shared>>
      %dma_start3A_10 = arith.constant 0 : i32
      %dma_start3A_11 = tpu.memref_slice %arg4[%mul3A_2, %dma_start3A_10] : memref<10240x128xf32, #tpu.memory_space<hbm>> -> memref<640x128xf32, #tpu.memory_space<hbm>>
      tpu.enqueue_dma source(%dma_start3A_11 : memref<640x128xf32, #tpu.memory_space<hbm>>) target(%dma_start3A_9 : memref<640x128xf32, #tpu.memory_space<vmem_shared>>) target_semaphore(%run_scoped3A : memref<!tpu.dma_semaphore, #tpu.memory_space<semaphore_mem>>)
      %dma_wait3A = arith.constant 0 : i32
      %dma_wait3A_12 = tpu.memref_slice %arg8[%mul3A_2, %dma_wait3A] : memref<10240x128xf32, #tpu.memory_space<vmem_shared>> -> memref<640x128xf32, #tpu.memory_space<vmem_shared>>
      %dma_wait3A_13 = arith.constant 0 : i32
      %dma_wait3A_14 = tpu.memref_slice %arg4[%mul3A_2, %dma_wait3A_13] : memref<10240x128xf32, #tpu.memory_space<hbm>> -> memref<640x128xf32, #tpu.memory_space<hbm>>
      tpu.wait_dma2 semaphore(%run_scoped3A : memref<!tpu.dma_semaphore, #tpu.memory_space<semaphore_mem>>) src(%dma_wait3A_14 : memref<640x128xf32, #tpu.memory_space<hbm>>) dst(%dma_wait3A_12 : memref<640x128xf32, #tpu.memory_space<vmem_shared>>)
      tpu.yield
    }) : () -> ()
    %barrier3A = arith.constant 0 : index
    tpu.barrier barrier_id(%barrier3A)
    %scan3A = arith.constant 0 : i32
    %scan3A_3 = arith.constant 0 : i32
    %scan3A_4 = arith.constant 80 : i32
    %scan3A_5 = arith.addi %scan3A_3, %scan3A_4 : i32
    %scan3A_6 = arith.constant 1 : i32
    scf.for %scan3A_9 = %scan3A_3 to %scan3A_5 step %scan3A_6  : i32 {
      "tpu.region"() ({
        %run_scoped3A = tpu.sem_alloc : memref<!tpu.dma_semaphore, #tpu.memory_space<semaphore_mem>>
        %dma_start3A = arith.constant 0 : i32
        %dma_start3A_10 = tpu.memref_slice %arg6[%scan3A_9, %dma_start3A] : memref<80x128xi32, #tpu.memory_space<vmem>> -> memref<1x128xi32, #tpu.memory_space<vmem>>
        %dma_start3A_11 = tpu.memref_squeeze %dma_start3A_10 : memref<1x128xi32, #tpu.memory_space<vmem>> -> memref<128xi32, #tpu.memory_space<vmem>>
        %dma_start3A_12 = arith.constant 0 : i32
        %dma_start3A_13 = arith.constant 0 : i32
        %dma_start3A_14 = tpu.memref_slice %arg8[%dma_start3A_12, %dma_start3A_13] : memref<10240x128xf32, #tpu.memory_space<vmem_shared>> -> memref<10240x128xf32, #tpu.memory_space<vmem_shared>>
        tpu.enqueue_indirect_dma source(%arg7 : memref<128x128xf32, #tpu.memory_space<vmem>>) target(%dma_start3A_14 : memref<10240x128xf32, #tpu.memory_space<vmem_shared>>) offsets(%dma_start3A_11 : memref<128xi32, #tpu.memory_space<vmem>>) semaphore(%run_scoped3A : memref<!tpu.dma_semaphore, #tpu.memory_space<semaphore_mem>>) {add = true}
        %dma_wait3A = arith.constant 0 : i32
        %dma_wait3A_15 = tpu.memref_slice %arg6[%scan3A_9, %dma_wait3A] : memref<80x128xi32, #tpu.memory_space<vmem>> -> memref<1x128xi32, #tpu.memory_space<vmem>>
        %dma_wait3A_16 = tpu.memref_squeeze %dma_wait3A_15 : memref<1x128xi32, #tpu.memory_space<vmem>> -> memref<128xi32, #tpu.memory_space<vmem>>
        %dma_wait3A_17 = arith.constant 0 : i32
        %dma_wait3A_18 = arith.constant 0 : i32
        %dma_wait3A_19 = tpu.memref_slice %arg8[%dma_wait3A_17, %dma_wait3A_18] : memref<10240x128xf32, #tpu.memory_space<vmem_shared>> -> memref<10240x128xf32, #tpu.memory_space<vmem_shared>>
        tpu.wait_indirect_dma semaphore(%run_scoped3A : memref<!tpu.dma_semaphore, #tpu.memory_space<semaphore_mem>>) src(%arg7 : memref<128x128xf32, #tpu.memory_space<vmem>>) dst(%dma_wait3A_19 : memref<10240x128xf32, #tpu.memory_space<vmem_shared>>)
        tpu.yield
      }) : () -> ()
    }
    %scan3A_7 = arith.constant 80 : i32
    %barrier3A_8 = arith.constant 0 : index
    tpu.barrier barrier_id(%barrier3A_8)
    "tpu.region"() ({
      %run_scoped3A = tpu.sem_alloc : memref<!tpu.dma_semaphore, #tpu.memory_space<semaphore_mem>>
      %dma_start3A = arith.constant 0 : i32
      %dma_start3A_9 = tpu.memref_slice %arg5[%arg0, %mul3A_2, %dma_start3A] : memref<2x10240x128xf32, #tpu.memory_space<hbm>> -> memref<1x640x128xf32, #tpu.memory_space<hbm>>
      %dma_start3A_10 = tpu.memref_squeeze %dma_start3A_9 : memref<1x640x128xf32, #tpu.memory_space<hbm>> -> memref<640x128xf32, #tpu.memory_space<hbm>>
      %dma_start3A_11 = arith.constant 0 : i32
      %dma_start3A_12 = tpu.memref_slice %arg8[%mul3A_2, %dma_start3A_11] : memref<10240x128xf32, #tpu.memory_space<vmem_shared>> -> memref<640x128xf32, #tpu.memory_space<vmem_shared>>
      tpu.enqueue_dma source(%dma_start3A_12 : memref<640x128xf32, #tpu.memory_space<vmem_shared>>) target(%dma_start3A_10 : memref<640x128xf32, #tpu.memory_space<hbm>>) target_semaphore(%run_scoped3A : memref<!tpu.dma_semaphore, #tpu.memory_space<semaphore_mem>>)
      %dma_wait3A = arith.constant 0 : i32
      %dma_wait3A_13 = tpu.memref_slice %arg5[%arg0, %mul3A_2, %dma_wait3A] : memref<2x10240x128xf32, #tpu.memory_space<hbm>> -> memref<1x640x128xf32, #tpu.memory_space<hbm>>
      %dma_wait3A_14 = tpu.memref_squeeze %dma_wait3A_13 : memref<1x640x128xf32, #tpu.memory_space<hbm>> -> memref<640x128xf32, #tpu.memory_space<hbm>>
      %dma_wait3A_15 = arith.constant 0 : i32
      %dma_wait3A_16 = tpu.memref_slice %arg8[%mul3A_2, %dma_wait3A_15] : memref<10240x128xf32, #tpu.memory_space<vmem_shared>> -> memref<640x128xf32, #tpu.memory_space<vmem_shared>>
      tpu.wait_dma2 semaphore(%run_scoped3A : memref<!tpu.dma_semaphore, #tpu.memory_space<semaphore_mem>>) src(%dma_wait3A_16 : memref<640x128xf32, #tpu.memory_space<vmem_shared>>) dst(%dma_wait3A_14 : memref<640x128xf32, #tpu.memory_space<hbm>>)
      tpu.yield
    }) : () -> ()
    return
  }
}

#map = affine_map<(d0, d1) -> (0, 0, 0)>
#map1 = affine_map<(d0, d1) -> (0, 0)>
module attributes {stable_mosaic.version = 14 : i64} {
  func.func @_scatter_body(%arg0: i32, %arg1: i32, %arg2: memref<32x152x128xi32, #tpu.memory_space<hbm>>, %arg3: memref<32x152x128xi32, #tpu.memory_space<hbm>>, %arg4: memref<10000x128xf32, #tpu.memory_space<hbm>>, %arg5: memref<10240x128xf32, #tpu.memory_space<hbm>>, %arg6: memref<2x10240x128xf32, #tpu.memory_space<hbm>>, %arg7: memref<8x128xi32, #tpu.memory_space<vmem>>, %arg8: memref<8x128xi32, #tpu.memory_space<vmem>>, %arg9: memref<128x128xf32, #tpu.memory_space<vmem>>, %arg10: memref<128x128xf32, #tpu.memory_space<vmem>>, %arg11: memref<10240x128xf32, #tpu.memory_space<vmem_shared>>, %arg12: memref<!tpu.dma_semaphore, #tpu.memory_space<semaphore_mem>>) attributes {dimension_semantics = [#tpu.dimension_semantics<core_parallel>, #tpu.dimension_semantics<subcore_parallel>], iteration_bounds = array<i64: 2, 16>, scalar_prefetch = 0 : i64, scratch_operands = 6 : i64, tpu.core_type = #tpu.core_type<sc_vector_subcore>, window_params = [{transform_indices = #map}, {transform_indices = #map}, {transform_indices = #map1}, {transform_indices = #map1}, {transform_indices = #map}]} {
    %mul3A = arith.constant 16 : i32
    %mul3A_0 = arith.muli %arg0, %mul3A : i32
    %add3A = arith.addi %mul3A_0, %arg1 : i32
    %eq3A = arith.constant 0 : i32
    %eq3A_1 = arith.cmpi eq, %arg0, %eq3A : i32
    %jit3A = arith.constant 19 : i32
    %jit3A_2 = arith.constant 1 : i32
    %select_n3A = arith.select %eq3A_1, %jit3A, %jit3A_2 : i32
    %mul3A_3 = arith.constant 640 : i32
    %mul3A_4 = arith.muli %arg1, %mul3A_3 : i32
    "tpu.region"() ({
      %run_scoped3A = tpu.sem_alloc : memref<!tpu.dma_semaphore, #tpu.memory_space<semaphore_mem>>
      %dma_start3A = arith.constant 0 : i32
      %dma_start3A_15 = tpu.memref_slice %arg11[%mul3A_4, %dma_start3A] : memref<10240x128xf32, #tpu.memory_space<vmem_shared>> -> memref<640x128xf32, #tpu.memory_space<vmem_shared>>
      %dma_start3A_16 = arith.constant 0 : i32
      %dma_start3A_17 = tpu.memref_slice %arg5[%mul3A_4, %dma_start3A_16] : memref<10240x128xf32, #tpu.memory_space<hbm>> -> memref<640x128xf32, #tpu.memory_space<hbm>>
      tpu.enqueue_dma source(%dma_start3A_17 : memref<640x128xf32, #tpu.memory_space<hbm>>) target(%dma_start3A_15 : memref<640x128xf32, #tpu.memory_space<vmem_shared>>) target_semaphore(%run_scoped3A : memref<!tpu.dma_semaphore, #tpu.memory_space<semaphore_mem>>)
      %dma_wait3A = arith.constant 0 : i32
      %dma_wait3A_18 = tpu.memref_slice %arg11[%mul3A_4, %dma_wait3A] : memref<10240x128xf32, #tpu.memory_space<vmem_shared>> -> memref<640x128xf32, #tpu.memory_space<vmem_shared>>
      %dma_wait3A_19 = arith.constant 0 : i32
      %dma_wait3A_20 = tpu.memref_slice %arg5[%mul3A_4, %dma_wait3A_19] : memref<10240x128xf32, #tpu.memory_space<hbm>> -> memref<640x128xf32, #tpu.memory_space<hbm>>
      tpu.wait_dma2 semaphore(%run_scoped3A : memref<!tpu.dma_semaphore, #tpu.memory_space<semaphore_mem>>) src(%dma_wait3A_20 : memref<640x128xf32, #tpu.memory_space<hbm>>) dst(%dma_wait3A_18 : memref<640x128xf32, #tpu.memory_space<vmem_shared>>)
      tpu.yield
    }) : () -> ()
    %barrier3A = arith.constant 0 : index
    tpu.barrier barrier_id(%barrier3A)
    %while3A = arith.constant 0 : i32
    %while3A_5 = arith.constant 0 : i32
    %while3A_6 = arith.subi %select_n3A, %while3A_5 : i32
    %while3A_7 = arith.addi %while3A_5, %while3A_6 : i32
    %while3A_8 = arith.constant 1 : i32
    %while3A_9 = arith.divsi %while3A_6, %while3A_8 : i32
    %while3A_10 = arith.muli %while3A_9, %while3A_8 : i32
    %while3A_11 = arith.addi %while3A_5, %while3A_10 : i32
    %while3A_12 = arith.constant 1 : i32
    scf.for %while3A_15 = %while3A_5 to %while3A_11 step %while3A_12  : i32 {
      %mul3A_16 = arith.constant 8 : i32
      %mul3A_17 = arith.muli %while3A_15, %mul3A_16 : i32
      "tpu.region"() ({
        %run_scoped3A = tpu.sem_alloc : memref<!tpu.dma_semaphore, #tpu.memory_space<semaphore_mem>>
        %dma_start3A = arith.constant 0 : i32
        %dma_start3A_25 = tpu.memref_slice %arg2[%add3A, %mul3A_17, %dma_start3A] : memref<32x152x128xi32, #tpu.memory_space<hbm>> -> memref<1x8x128xi32, #tpu.memory_space<hbm>>
        %dma_start3A_26 = tpu.memref_squeeze %dma_start3A_25 : memref<1x8x128xi32, #tpu.memory_space<hbm>> -> memref<8x128xi32, #tpu.memory_space<hbm>>
        %dma_start3A_27 = arith.constant 0 : i32
        %dma_start3A_28 = tpu.memref_slice %arg2[%add3A, %mul3A_17, %dma_start3A_27] : memref<32x152x128xi32, #tpu.memory_space<hbm>> -> memref<1x8x128xi32, #tpu.memory_space<hbm>>
        %dma_start3A_29 = tpu.memref_squeeze %dma_start3A_28 : memref<1x8x128xi32, #tpu.memory_space<hbm>> -> memref<8x128xi32, #tpu.memory_space<hbm>>
        tpu.enqueue_dma source(%dma_start3A_29 : memref<8x128xi32, #tpu.memory_space<hbm>>) target(%arg7 : memref<8x128xi32, #tpu.memory_space<vmem>>) target_semaphore(%run_scoped3A : memref<!tpu.dma_semaphore, #tpu.memory_space<semaphore_mem>>)
        %dma_wait3A = arith.constant 0 : i32
        %dma_wait3A_30 = tpu.memref_slice %arg2[%add3A, %mul3A_17, %dma_wait3A] : memref<32x152x128xi32, #tpu.memory_space<hbm>> -> memref<1x8x128xi32, #tpu.memory_space<hbm>>
        %dma_wait3A_31 = tpu.memref_squeeze %dma_wait3A_30 : memref<1x8x128xi32, #tpu.memory_space<hbm>> -> memref<8x128xi32, #tpu.memory_space<hbm>>
        %dma_wait3A_32 = arith.constant 0 : i32
        %dma_wait3A_33 = tpu.memref_slice %arg2[%add3A, %mul3A_17, %dma_wait3A_32] : memref<32x152x128xi32, #tpu.memory_space<hbm>> -> memref<1x8x128xi32, #tpu.memory_space<hbm>>
        %dma_wait3A_34 = tpu.memref_squeeze %dma_wait3A_33 : memref<1x8x128xi32, #tpu.memory_space<hbm>> -> memref<8x128xi32, #tpu.memory_space<hbm>>
        tpu.wait_dma2 semaphore(%run_scoped3A : memref<!tpu.dma_semaphore, #tpu.memory_space<semaphore_mem>>) src(%dma_wait3A_34 : memref<8x128xi32, #tpu.memory_space<hbm>>) dst(%arg7 : memref<8x128xi32, #tpu.memory_space<vmem>>)
        tpu.yield
      }) : () -> ()
      %mul3A_18 = arith.constant 8 : i32
      %mul3A_19 = arith.muli %while3A_15, %mul3A_18 : i32
      "tpu.region"() ({
        %run_scoped3A = tpu.sem_alloc : memref<!tpu.dma_semaphore, #tpu.memory_space<semaphore_mem>>
        %dma_start3A = arith.constant 0 : i32
        %dma_start3A_25 = tpu.memref_slice %arg3[%add3A, %mul3A_19, %dma_start3A] : memref<32x152x128xi32, #tpu.memory_space<hbm>> -> memref<1x8x128xi32, #tpu.memory_space<hbm>>
        %dma_start3A_26 = tpu.memref_squeeze %dma_start3A_25 : memref<1x8x128xi32, #tpu.memory_space<hbm>> -> memref<8x128xi32, #tpu.memory_space<hbm>>
        %dma_start3A_27 = arith.constant 0 : i32
        %dma_start3A_28 = tpu.memref_slice %arg3[%add3A, %mul3A_19, %dma_start3A_27] : memref<32x152x128xi32, #tpu.memory_space<hbm>> -> memref<1x8x128xi32, #tpu.memory_space<hbm>>
        %dma_start3A_29 = tpu.memref_squeeze %dma_start3A_28 : memref<1x8x128xi32, #tpu.memory_space<hbm>> -> memref<8x128xi32, #tpu.memory_space<hbm>>
        tpu.enqueue_dma source(%dma_start3A_29 : memref<8x128xi32, #tpu.memory_space<hbm>>) target(%arg8 : memref<8x128xi32, #tpu.memory_space<vmem>>) target_semaphore(%run_scoped3A : memref<!tpu.dma_semaphore, #tpu.memory_space<semaphore_mem>>)
        %dma_wait3A = arith.constant 0 : i32
        %dma_wait3A_30 = tpu.memref_slice %arg3[%add3A, %mul3A_19, %dma_wait3A] : memref<32x152x128xi32, #tpu.memory_space<hbm>> -> memref<1x8x128xi32, #tpu.memory_space<hbm>>
        %dma_wait3A_31 = tpu.memref_squeeze %dma_wait3A_30 : memref<1x8x128xi32, #tpu.memory_space<hbm>> -> memref<8x128xi32, #tpu.memory_space<hbm>>
        %dma_wait3A_32 = arith.constant 0 : i32
        %dma_wait3A_33 = tpu.memref_slice %arg3[%add3A, %mul3A_19, %dma_wait3A_32] : memref<32x152x128xi32, #tpu.memory_space<hbm>> -> memref<1x8x128xi32, #tpu.memory_space<hbm>>
        %dma_wait3A_34 = tpu.memref_squeeze %dma_wait3A_33 : memref<1x8x128xi32, #tpu.memory_space<hbm>> -> memref<8x128xi32, #tpu.memory_space<hbm>>
        tpu.wait_dma2 semaphore(%run_scoped3A : memref<!tpu.dma_semaphore, #tpu.memory_space<semaphore_mem>>) src(%dma_wait3A_34 : memref<8x128xi32, #tpu.memory_space<hbm>>) dst(%arg8 : memref<8x128xi32, #tpu.memory_space<vmem>>)
        tpu.yield
      }) : () -> ()
      %scan3A = arith.constant 0 : i32
      %scan3A_20 = arith.constant 0 : i32
      %scan3A_21 = arith.constant 4 : i32
      %scan3A_22 = arith.addi %scan3A_20, %scan3A_21 : i32
      %scan3A_23 = arith.constant 1 : i32
      scf.for %scan3A_25 = %scan3A_20 to %scan3A_22 step %scan3A_23  : i32 {
        %mul3A_26 = arith.constant 2 : i32
        %mul3A_27 = arith.muli %mul3A_26, %scan3A_25 : i32
        %add3A_28 = arith.constant 0 : i32
        %add3A_29 = arith.addi %mul3A_27, %add3A_28 : i32
        %dma_start3A = arith.constant 0 : i32
        %dma_start3A_30 = tpu.memref_slice %arg7[%add3A_29, %dma_start3A] : memref<8x128xi32, #tpu.memory_space<vmem>> -> memref<1x128xi32, #tpu.memory_space<vmem>>
        %dma_start3A_31 = tpu.memref_squeeze %dma_start3A_30 : memref<1x128xi32, #tpu.memory_space<vmem>> -> memref<128xi32, #tpu.memory_space<vmem>>
        %dma_start3A_32 = arith.constant 0 : i32
        %dma_start3A_33 = arith.constant 0 : i32
        %dma_start3A_34 = tpu.memref_slice %arg4[%dma_start3A_32, %dma_start3A_33] : memref<10000x128xf32, #tpu.memory_space<hbm>> -> memref<10000x128xf32, #tpu.memory_space<hbm>>
        tpu.enqueue_indirect_dma source(%dma_start3A_34 : memref<10000x128xf32, #tpu.memory_space<hbm>>) target(%arg9 : memref<128x128xf32, #tpu.memory_space<vmem>>) offsets(%dma_start3A_31 : memref<128xi32, #tpu.memory_space<vmem>>) semaphore(%arg12 : memref<!tpu.dma_semaphore, #tpu.memory_space<semaphore_mem>>)
        %mul3A_35 = arith.constant 2 : i32
        %mul3A_36 = arith.muli %mul3A_35, %scan3A_25 : i32
        %add3A_37 = arith.constant 1 : i32
        %add3A_38 = arith.addi %mul3A_36, %add3A_37 : i32
        %dma_start3A_39 = arith.constant 0 : i32
        %dma_start3A_40 = tpu.memref_slice %arg7[%add3A_38, %dma_start3A_39] : memref<8x128xi32, #tpu.memory_space<vmem>> -> memref<1x128xi32, #tpu.memory_space<vmem>>
        %dma_start3A_41 = tpu.memref_squeeze %dma_start3A_40 : memref<1x128xi32, #tpu.memory_space<vmem>> -> memref<128xi32, #tpu.memory_space<vmem>>
        %dma_start3A_42 = arith.constant 0 : i32
        %dma_start3A_43 = arith.constant 0 : i32
        %dma_start3A_44 = tpu.memref_slice %arg4[%dma_start3A_42, %dma_start3A_43] : memref<10000x128xf32, #tpu.memory_space<hbm>> -> memref<10000x128xf32, #tpu.memory_space<hbm>>
        tpu.enqueue_indirect_dma source(%dma_start3A_44 : memref<10000x128xf32, #tpu.memory_space<hbm>>) target(%arg10 : memref<128x128xf32, #tpu.memory_space<vmem>>) offsets(%dma_start3A_41 : memref<128xi32, #tpu.memory_space<vmem>>) semaphore(%arg12 : memref<!tpu.dma_semaphore, #tpu.memory_space<semaphore_mem>>)
        %dma_wait3A = arith.constant 0 : i32
        %dma_wait3A_45 = tpu.memref_slice %arg7[%add3A_29, %dma_wait3A] : memref<8x128xi32, #tpu.memory_space<vmem>> -> memref<1x128xi32, #tpu.memory_space<vmem>>
        %dma_wait3A_46 = tpu.memref_squeeze %dma_wait3A_45 : memref<1x128xi32, #tpu.memory_space<vmem>> -> memref<128xi32, #tpu.memory_space<vmem>>
        %dma_wait3A_47 = arith.constant 0 : i32
        %dma_wait3A_48 = arith.constant 0 : i32
        %dma_wait3A_49 = tpu.memref_slice %arg4[%dma_wait3A_47, %dma_wait3A_48] : memref<10000x128xf32, #tpu.memory_space<hbm>> -> memref<10000x128xf32, #tpu.memory_space<hbm>>
        tpu.wait_indirect_dma semaphore(%arg12 : memref<!tpu.dma_semaphore, #tpu.memory_space<semaphore_mem>>) src(%dma_wait3A_49 : memref<10000x128xf32, #tpu.memory_space<hbm>>) dst(%arg9 : memref<128x128xf32, #tpu.memory_space<vmem>>)
        %dma_wait3A_50 = arith.constant 0 : i32
        %dma_wait3A_51 = tpu.memref_slice %arg7[%add3A_38, %dma_wait3A_50] : memref<8x128xi32, #tpu.memory_space<vmem>> -> memref<1x128xi32, #tpu.memory_space<vmem>>
        %dma_wait3A_52 = tpu.memref_squeeze %dma_wait3A_51 : memref<1x128xi32, #tpu.memory_space<vmem>> -> memref<128xi32, #tpu.memory_space<vmem>>
        %dma_wait3A_53 = arith.constant 0 : i32
        %dma_wait3A_54 = arith.constant 0 : i32
        %dma_wait3A_55 = tpu.memref_slice %arg4[%dma_wait3A_53, %dma_wait3A_54] : memref<10000x128xf32, #tpu.memory_space<hbm>> -> memref<10000x128xf32, #tpu.memory_space<hbm>>
        tpu.wait_indirect_dma semaphore(%arg12 : memref<!tpu.dma_semaphore, #tpu.memory_space<semaphore_mem>>) src(%dma_wait3A_55 : memref<10000x128xf32, #tpu.memory_space<hbm>>) dst(%arg10 : memref<128x128xf32, #tpu.memory_space<vmem>>)
        %mul3A_56 = arith.constant 2 : i32
        %mul3A_57 = arith.muli %mul3A_56, %scan3A_25 : i32
        %add3A_58 = arith.constant 0 : i32
        %add3A_59 = arith.addi %mul3A_57, %add3A_58 : i32
        "tpu.region"() ({
          %run_scoped3A = tpu.sem_alloc : memref<!tpu.dma_semaphore, #tpu.memory_space<semaphore_mem>>
          %dma_start3A_64 = arith.constant 0 : i32
          %dma_start3A_65 = tpu.memref_slice %arg8[%add3A_59, %dma_start3A_64] : memref<8x128xi32, #tpu.memory_space<vmem>> -> memref<1x128xi32, #tpu.memory_space<vmem>>
          %dma_start3A_66 = tpu.memref_squeeze %dma_start3A_65 : memref<1x128xi32, #tpu.memory_space<vmem>> -> memref<128xi32, #tpu.memory_space<vmem>>
          %dma_start3A_67 = arith.constant 0 : i32
          %dma_start3A_68 = arith.constant 0 : i32
          %dma_start3A_69 = tpu.memref_slice %arg11[%dma_start3A_67, %dma_start3A_68] : memref<10240x128xf32, #tpu.memory_space<vmem_shared>> -> memref<10240x128xf32, #tpu.memory_space<vmem_shared>>
          tpu.enqueue_indirect_dma source(%arg9 : memref<128x128xf32, #tpu.memory_space<vmem>>) target(%dma_start3A_69 : memref<10240x128xf32, #tpu.memory_space<vmem_shared>>) offsets(%dma_start3A_66 : memref<128xi32, #tpu.memory_space<vmem>>) semaphore(%run_scoped3A : memref<!tpu.dma_semaphore, #tpu.memory_space<semaphore_mem>>) {add = true}
          %dma_wait3A_70 = arith.constant 0 : i32
          %dma_wait3A_71 = tpu.memref_slice %arg8[%add3A_59, %dma_wait3A_70] : memref<8x128xi32, #tpu.memory_space<vmem>> -> memref<1x128xi32, #tpu.memory_space<vmem>>
          %dma_wait3A_72 = tpu.memref_squeeze %dma_wait3A_71 : memref<1x128xi32, #tpu.memory_space<vmem>> -> memref<128xi32, #tpu.memory_space<vmem>>
          %dma_wait3A_73 = arith.constant 0 : i32
          %dma_wait3A_74 = arith.constant 0 : i32
          %dma_wait3A_75 = tpu.memref_slice %arg11[%dma_wait3A_73, %dma_wait3A_74] : memref<10240x128xf32, #tpu.memory_space<vmem_shared>> -> memref<10240x128xf32, #tpu.memory_space<vmem_shared>>
          tpu.wait_indirect_dma semaphore(%run_scoped3A : memref<!tpu.dma_semaphore, #tpu.memory_space<semaphore_mem>>) src(%arg9 : memref<128x128xf32, #tpu.memory_space<vmem>>) dst(%dma_wait3A_75 : memref<10240x128xf32, #tpu.memory_space<vmem_shared>>)
          tpu.yield
        }) : () -> ()
        %mul3A_60 = arith.constant 2 : i32
        %mul3A_61 = arith.muli %mul3A_60, %scan3A_25 : i32
        %add3A_62 = arith.constant 1 : i32
        %add3A_63 = arith.addi %mul3A_61, %add3A_62 : i32
        "tpu.region"() ({
          %run_scoped3A = tpu.sem_alloc : memref<!tpu.dma_semaphore, #tpu.memory_space<semaphore_mem>>
          %dma_start3A_64 = arith.constant 0 : i32
          %dma_start3A_65 = tpu.memref_slice %arg8[%add3A_63, %dma_start3A_64] : memref<8x128xi32, #tpu.memory_space<vmem>> -> memref<1x128xi32, #tpu.memory_space<vmem>>
          %dma_start3A_66 = tpu.memref_squeeze %dma_start3A_65 : memref<1x128xi32, #tpu.memory_space<vmem>> -> memref<128xi32, #tpu.memory_space<vmem>>
          %dma_start3A_67 = arith.constant 0 : i32
          %dma_start3A_68 = arith.constant 0 : i32
          %dma_start3A_69 = tpu.memref_slice %arg11[%dma_start3A_67, %dma_start3A_68] : memref<10240x128xf32, #tpu.memory_space<vmem_shared>> -> memref<10240x128xf32, #tpu.memory_space<vmem_shared>>
          tpu.enqueue_indirect_dma source(%arg10 : memref<128x128xf32, #tpu.memory_space<vmem>>) target(%dma_start3A_69 : memref<10240x128xf32, #tpu.memory_space<vmem_shared>>) offsets(%dma_start3A_66 : memref<128xi32, #tpu.memory_space<vmem>>) semaphore(%run_scoped3A : memref<!tpu.dma_semaphore, #tpu.memory_space<semaphore_mem>>) {add = true}
          %dma_wait3A_70 = arith.constant 0 : i32
          %dma_wait3A_71 = tpu.memref_slice %arg8[%add3A_63, %dma_wait3A_70] : memref<8x128xi32, #tpu.memory_space<vmem>> -> memref<1x128xi32, #tpu.memory_space<vmem>>
          %dma_wait3A_72 = tpu.memref_squeeze %dma_wait3A_71 : memref<1x128xi32, #tpu.memory_space<vmem>> -> memref<128xi32, #tpu.memory_space<vmem>>
          %dma_wait3A_73 = arith.constant 0 : i32
          %dma_wait3A_74 = arith.constant 0 : i32
          %dma_wait3A_75 = tpu.memref_slice %arg11[%dma_wait3A_73, %dma_wait3A_74] : memref<10240x128xf32, #tpu.memory_space<vmem_shared>> -> memref<10240x128xf32, #tpu.memory_space<vmem_shared>>
          tpu.wait_indirect_dma semaphore(%run_scoped3A : memref<!tpu.dma_semaphore, #tpu.memory_space<semaphore_mem>>) src(%arg10 : memref<128x128xf32, #tpu.memory_space<vmem>>) dst(%dma_wait3A_75 : memref<10240x128xf32, #tpu.memory_space<vmem_shared>>)
          tpu.yield
        }) : () -> ()
      }
      %scan3A_24 = arith.constant 4 : i32
    }
    %while3A_13 = arith.constant 1 : i32
    scf.for %while3A_15 = %while3A_11 to %while3A_7 step %while3A_13  : i32 {
      %mul3A_16 = arith.constant 8 : i32
      %mul3A_17 = arith.muli %while3A_15, %mul3A_16 : i32
      "tpu.region"() ({
        %run_scoped3A = tpu.sem_alloc : memref<!tpu.dma_semaphore, #tpu.memory_space<semaphore_mem>>
        %dma_start3A = arith.constant 0 : i32
        %dma_start3A_25 = tpu.memref_slice %arg2[%add3A, %mul3A_17, %dma_start3A] : memref<32x152x128xi32, #tpu.memory_space<hbm>> -> memref<1x8x128xi32, #tpu.memory_space<hbm>>
        %dma_start3A_26 = tpu.memref_squeeze %dma_start3A_25 : memref<1x8x128xi32, #tpu.memory_space<hbm>> -> memref<8x128xi32, #tpu.memory_space<hbm>>
        %dma_start3A_27 = arith.constant 0 : i32
        %dma_start3A_28 = tpu.memref_slice %arg2[%add3A, %mul3A_17, %dma_start3A_27] : memref<32x152x128xi32, #tpu.memory_space<hbm>> -> memref<1x8x128xi32, #tpu.memory_space<hbm>>
        %dma_start3A_29 = tpu.memref_squeeze %dma_start3A_28 : memref<1x8x128xi32, #tpu.memory_space<hbm>> -> memref<8x128xi32, #tpu.memory_space<hbm>>
        tpu.enqueue_dma source(%dma_start3A_29 : memref<8x128xi32, #tpu.memory_space<hbm>>) target(%arg7 : memref<8x128xi32, #tpu.memory_space<vmem>>) target_semaphore(%run_scoped3A : memref<!tpu.dma_semaphore, #tpu.memory_space<semaphore_mem>>)
        %dma_wait3A = arith.constant 0 : i32
        %dma_wait3A_30 = tpu.memref_slice %arg2[%add3A, %mul3A_17, %dma_wait3A] : memref<32x152x128xi32, #tpu.memory_space<hbm>> -> memref<1x8x128xi32, #tpu.memory_space<hbm>>
        %dma_wait3A_31 = tpu.memref_squeeze %dma_wait3A_30 : memref<1x8x128xi32, #tpu.memory_space<hbm>> -> memref<8x128xi32, #tpu.memory_space<hbm>>
        %dma_wait3A_32 = arith.constant 0 : i32
        %dma_wait3A_33 = tpu.memref_slice %arg2[%add3A, %mul3A_17, %dma_wait3A_32] : memref<32x152x128xi32, #tpu.memory_space<hbm>> -> memref<1x8x128xi32, #tpu.memory_space<hbm>>
        %dma_wait3A_34 = tpu.memref_squeeze %dma_wait3A_33 : memref<1x8x128xi32, #tpu.memory_space<hbm>> -> memref<8x128xi32, #tpu.memory_space<hbm>>
        tpu.wait_dma2 semaphore(%run_scoped3A : memref<!tpu.dma_semaphore, #tpu.memory_space<semaphore_mem>>) src(%dma_wait3A_34 : memref<8x128xi32, #tpu.memory_space<hbm>>) dst(%arg7 : memref<8x128xi32, #tpu.memory_space<vmem>>)
        tpu.yield
      }) : () -> ()
      %mul3A_18 = arith.constant 8 : i32
      %mul3A_19 = arith.muli %while3A_15, %mul3A_18 : i32
      "tpu.region"() ({
        %run_scoped3A = tpu.sem_alloc : memref<!tpu.dma_semaphore, #tpu.memory_space<semaphore_mem>>
        %dma_start3A = arith.constant 0 : i32
        %dma_start3A_25 = tpu.memref_slice %arg3[%add3A, %mul3A_19, %dma_start3A] : memref<32x152x128xi32, #tpu.memory_space<hbm>> -> memref<1x8x128xi32, #tpu.memory_space<hbm>>
        %dma_start3A_26 = tpu.memref_squeeze %dma_start3A_25 : memref<1x8x128xi32, #tpu.memory_space<hbm>> -> memref<8x128xi32, #tpu.memory_space<hbm>>
        %dma_start3A_27 = arith.constant 0 : i32
        %dma_start3A_28 = tpu.memref_slice %arg3[%add3A, %mul3A_19, %dma_start3A_27] : memref<32x152x128xi32, #tpu.memory_space<hbm>> -> memref<1x8x128xi32, #tpu.memory_space<hbm>>
        %dma_start3A_29 = tpu.memref_squeeze %dma_start3A_28 : memref<1x8x128xi32, #tpu.memory_space<hbm>> -> memref<8x128xi32, #tpu.memory_space<hbm>>
        tpu.enqueue_dma source(%dma_start3A_29 : memref<8x128xi32, #tpu.memory_space<hbm>>) target(%arg8 : memref<8x128xi32, #tpu.memory_space<vmem>>) target_semaphore(%run_scoped3A : memref<!tpu.dma_semaphore, #tpu.memory_space<semaphore_mem>>)
        %dma_wait3A = arith.constant 0 : i32
        %dma_wait3A_30 = tpu.memref_slice %arg3[%add3A, %mul3A_19, %dma_wait3A] : memref<32x152x128xi32, #tpu.memory_space<hbm>> -> memref<1x8x128xi32, #tpu.memory_space<hbm>>
        %dma_wait3A_31 = tpu.memref_squeeze %dma_wait3A_30 : memref<1x8x128xi32, #tpu.memory_space<hbm>> -> memref<8x128xi32, #tpu.memory_space<hbm>>
        %dma_wait3A_32 = arith.constant 0 : i32
        %dma_wait3A_33 = tpu.memref_slice %arg3[%add3A, %mul3A_19, %dma_wait3A_32] : memref<32x152x128xi32, #tpu.memory_space<hbm>> -> memref<1x8x128xi32, #tpu.memory_space<hbm>>
        %dma_wait3A_34 = tpu.memref_squeeze %dma_wait3A_33 : memref<1x8x128xi32, #tpu.memory_space<hbm>> -> memref<8x128xi32, #tpu.memory_space<hbm>>
        tpu.wait_dma2 semaphore(%run_scoped3A : memref<!tpu.dma_semaphore, #tpu.memory_space<semaphore_mem>>) src(%dma_wait3A_34 : memref<8x128xi32, #tpu.memory_space<hbm>>) dst(%arg8 : memref<8x128xi32, #tpu.memory_space<vmem>>)
        tpu.yield
      }) : () -> ()
      %scan3A = arith.constant 0 : i32
      %scan3A_20 = arith.constant 0 : i32
      %scan3A_21 = arith.constant 4 : i32
      %scan3A_22 = arith.addi %scan3A_20, %scan3A_21 : i32
      %scan3A_23 = arith.constant 1 : i32
      scf.for %scan3A_25 = %scan3A_20 to %scan3A_22 step %scan3A_23  : i32 {
        %mul3A_26 = arith.constant 2 : i32
        %mul3A_27 = arith.muli %mul3A_26, %scan3A_25 : i32
        %add3A_28 = arith.constant 0 : i32
        %add3A_29 = arith.addi %mul3A_27, %add3A_28 : i32
        %dma_start3A = arith.constant 0 : i32
        %dma_start3A_30 = tpu.memref_slice %arg7[%add3A_29, %dma_start3A] : memref<8x128xi32, #tpu.memory_space<vmem>> -> memref<1x128xi32, #tpu.memory_space<vmem>>
        %dma_start3A_31 = tpu.memref_squeeze %dma_start3A_30 : memref<1x128xi32, #tpu.memory_space<vmem>> -> memref<128xi32, #tpu.memory_space<vmem>>
        %dma_start3A_32 = arith.constant 0 : i32
        %dma_start3A_33 = arith.constant 0 : i32
        %dma_start3A_34 = tpu.memref_slice %arg4[%dma_start3A_32, %dma_start3A_33] : memref<10000x128xf32, #tpu.memory_space<hbm>> -> memref<10000x128xf32, #tpu.memory_space<hbm>>
        tpu.enqueue_indirect_dma source(%dma_start3A_34 : memref<10000x128xf32, #tpu.memory_space<hbm>>) target(%arg9 : memref<128x128xf32, #tpu.memory_space<vmem>>) offsets(%dma_start3A_31 : memref<128xi32, #tpu.memory_space<vmem>>) semaphore(%arg12 : memref<!tpu.dma_semaphore, #tpu.memory_space<semaphore_mem>>)
        %mul3A_35 = arith.constant 2 : i32
        %mul3A_36 = arith.muli %mul3A_35, %scan3A_25 : i32
        %add3A_37 = arith.constant 1 : i32
        %add3A_38 = arith.addi %mul3A_36, %add3A_37 : i32
        %dma_start3A_39 = arith.constant 0 : i32
        %dma_start3A_40 = tpu.memref_slice %arg7[%add3A_38, %dma_start3A_39] : memref<8x128xi32, #tpu.memory_space<vmem>> -> memref<1x128xi32, #tpu.memory_space<vmem>>
        %dma_start3A_41 = tpu.memref_squeeze %dma_start3A_40 : memref<1x128xi32, #tpu.memory_space<vmem>> -> memref<128xi32, #tpu.memory_space<vmem>>
        %dma_start3A_42 = arith.constant 0 : i32
        %dma_start3A_43 = arith.constant 0 : i32
        %dma_start3A_44 = tpu.memref_slice %arg4[%dma_start3A_42, %dma_start3A_43] : memref<10000x128xf32, #tpu.memory_space<hbm>> -> memref<10000x128xf32, #tpu.memory_space<hbm>>
        tpu.enqueue_indirect_dma source(%dma_start3A_44 : memref<10000x128xf32, #tpu.memory_space<hbm>>) target(%arg10 : memref<128x128xf32, #tpu.memory_space<vmem>>) offsets(%dma_start3A_41 : memref<128xi32, #tpu.memory_space<vmem>>) semaphore(%arg12 : memref<!tpu.dma_semaphore, #tpu.memory_space<semaphore_mem>>)
        %dma_wait3A = arith.constant 0 : i32
        %dma_wait3A_45 = tpu.memref_slice %arg7[%add3A_29, %dma_wait3A] : memref<8x128xi32, #tpu.memory_space<vmem>> -> memref<1x128xi32, #tpu.memory_space<vmem>>
        %dma_wait3A_46 = tpu.memref_squeeze %dma_wait3A_45 : memref<1x128xi32, #tpu.memory_space<vmem>> -> memref<128xi32, #tpu.memory_space<vmem>>
        %dma_wait3A_47 = arith.constant 0 : i32
        %dma_wait3A_48 = arith.constant 0 : i32
        %dma_wait3A_49 = tpu.memref_slice %arg4[%dma_wait3A_47, %dma_wait3A_48] : memref<10000x128xf32, #tpu.memory_space<hbm>> -> memref<10000x128xf32, #tpu.memory_space<hbm>>
        tpu.wait_indirect_dma semaphore(%arg12 : memref<!tpu.dma_semaphore, #tpu.memory_space<semaphore_mem>>) src(%dma_wait3A_49 : memref<10000x128xf32, #tpu.memory_space<hbm>>) dst(%arg9 : memref<128x128xf32, #tpu.memory_space<vmem>>)
        %dma_wait3A_50 = arith.constant 0 : i32
        %dma_wait3A_51 = tpu.memref_slice %arg7[%add3A_38, %dma_wait3A_50] : memref<8x128xi32, #tpu.memory_space<vmem>> -> memref<1x128xi32, #tpu.memory_space<vmem>>
        %dma_wait3A_52 = tpu.memref_squeeze %dma_wait3A_51 : memref<1x128xi32, #tpu.memory_space<vmem>> -> memref<128xi32, #tpu.memory_space<vmem>>
        %dma_wait3A_53 = arith.constant 0 : i32
        %dma_wait3A_54 = arith.constant 0 : i32
        %dma_wait3A_55 = tpu.memref_slice %arg4[%dma_wait3A_53, %dma_wait3A_54] : memref<10000x128xf32, #tpu.memory_space<hbm>> -> memref<10000x128xf32, #tpu.memory_space<hbm>>
        tpu.wait_indirect_dma semaphore(%arg12 : memref<!tpu.dma_semaphore, #tpu.memory_space<semaphore_mem>>) src(%dma_wait3A_55 : memref<10000x128xf32, #tpu.memory_space<hbm>>) dst(%arg10 : memref<128x128xf32, #tpu.memory_space<vmem>>)
        %mul3A_56 = arith.constant 2 : i32
        %mul3A_57 = arith.muli %mul3A_56, %scan3A_25 : i32
        %add3A_58 = arith.constant 0 : i32
        %add3A_59 = arith.addi %mul3A_57, %add3A_58 : i32
        "tpu.region"() ({
          %run_scoped3A = tpu.sem_alloc : memref<!tpu.dma_semaphore, #tpu.memory_space<semaphore_mem>>
          %dma_start3A_64 = arith.constant 0 : i32
          %dma_start3A_65 = tpu.memref_slice %arg8[%add3A_59, %dma_start3A_64] : memref<8x128xi32, #tpu.memory_space<vmem>> -> memref<1x128xi32, #tpu.memory_space<vmem>>
          %dma_start3A_66 = tpu.memref_squeeze %dma_start3A_65 : memref<1x128xi32, #tpu.memory_space<vmem>> -> memref<128xi32, #tpu.memory_space<vmem>>
          %dma_start3A_67 = arith.constant 0 : i32
          %dma_start3A_68 = arith.constant 0 : i32
          %dma_start3A_69 = tpu.memref_slice %arg11[%dma_start3A_67, %dma_start3A_68] : memref<10240x128xf32, #tpu.memory_space<vmem_shared>> -> memref<10240x128xf32, #tpu.memory_space<vmem_shared>>
          tpu.enqueue_indirect_dma source(%arg9 : memref<128x128xf32, #tpu.memory_space<vmem>>) target(%dma_start3A_69 : memref<10240x128xf32, #tpu.memory_space<vmem_shared>>) offsets(%dma_start3A_66 : memref<128xi32, #tpu.memory_space<vmem>>) semaphore(%run_scoped3A : memref<!tpu.dma_semaphore, #tpu.memory_space<semaphore_mem>>) {add = true}
          %dma_wait3A_70 = arith.constant 0 : i32
          %dma_wait3A_71 = tpu.memref_slice %arg8[%add3A_59, %dma_wait3A_70] : memref<8x128xi32, #tpu.memory_space<vmem>> -> memref<1x128xi32, #tpu.memory_space<vmem>>
          %dma_wait3A_72 = tpu.memref_squeeze %dma_wait3A_71 : memref<1x128xi32, #tpu.memory_space<vmem>> -> memref<128xi32, #tpu.memory_space<vmem>>
          %dma_wait3A_73 = arith.constant 0 : i32
          %dma_wait3A_74 = arith.constant 0 : i32
          %dma_wait3A_75 = tpu.memref_slice %arg11[%dma_wait3A_73, %dma_wait3A_74] : memref<10240x128xf32, #tpu.memory_space<vmem_shared>> -> memref<10240x128xf32, #tpu.memory_space<vmem_shared>>
          tpu.wait_indirect_dma semaphore(%run_scoped3A : memref<!tpu.dma_semaphore, #tpu.memory_space<semaphore_mem>>) src(%arg9 : memref<128x128xf32, #tpu.memory_space<vmem>>) dst(%dma_wait3A_75 : memref<10240x128xf32, #tpu.memory_space<vmem_shared>>)
          tpu.yield
        }) : () -> ()
        %mul3A_60 = arith.constant 2 : i32
        %mul3A_61 = arith.muli %mul3A_60, %scan3A_25 : i32
        %add3A_62 = arith.constant 1 : i32
        %add3A_63 = arith.addi %mul3A_61, %add3A_62 : i32
        "tpu.region"() ({
          %run_scoped3A = tpu.sem_alloc : memref<!tpu.dma_semaphore, #tpu.memory_space<semaphore_mem>>
          %dma_start3A_64 = arith.constant 0 : i32
          %dma_start3A_65 = tpu.memref_slice %arg8[%add3A_63, %dma_start3A_64] : memref<8x128xi32, #tpu.memory_space<vmem>> -> memref<1x128xi32, #tpu.memory_space<vmem>>
          %dma_start3A_66 = tpu.memref_squeeze %dma_start3A_65 : memref<1x128xi32, #tpu.memory_space<vmem>> -> memref<128xi32, #tpu.memory_space<vmem>>
          %dma_start3A_67 = arith.constant 0 : i32
          %dma_start3A_68 = arith.constant 0 : i32
          %dma_start3A_69 = tpu.memref_slice %arg11[%dma_start3A_67, %dma_start3A_68] : memref<10240x128xf32, #tpu.memory_space<vmem_shared>> -> memref<10240x128xf32, #tpu.memory_space<vmem_shared>>
          tpu.enqueue_indirect_dma source(%arg10 : memref<128x128xf32, #tpu.memory_space<vmem>>) target(%dma_start3A_69 : memref<10240x128xf32, #tpu.memory_space<vmem_shared>>) offsets(%dma_start3A_66 : memref<128xi32, #tpu.memory_space<vmem>>) semaphore(%run_scoped3A : memref<!tpu.dma_semaphore, #tpu.memory_space<semaphore_mem>>) {add = true}
          %dma_wait3A_70 = arith.constant 0 : i32
          %dma_wait3A_71 = tpu.memref_slice %arg8[%add3A_63, %dma_wait3A_70] : memref<8x128xi32, #tpu.memory_space<vmem>> -> memref<1x128xi32, #tpu.memory_space<vmem>>
          %dma_wait3A_72 = tpu.memref_squeeze %dma_wait3A_71 : memref<1x128xi32, #tpu.memory_space<vmem>> -> memref<128xi32, #tpu.memory_space<vmem>>
          %dma_wait3A_73 = arith.constant 0 : i32
          %dma_wait3A_74 = arith.constant 0 : i32
          %dma_wait3A_75 = tpu.memref_slice %arg11[%dma_wait3A_73, %dma_wait3A_74] : memref<10240x128xf32, #tpu.memory_space<vmem_shared>> -> memref<10240x128xf32, #tpu.memory_space<vmem_shared>>
          tpu.wait_indirect_dma semaphore(%run_scoped3A : memref<!tpu.dma_semaphore, #tpu.memory_space<semaphore_mem>>) src(%arg10 : memref<128x128xf32, #tpu.memory_space<vmem>>) dst(%dma_wait3A_75 : memref<10240x128xf32, #tpu.memory_space<vmem_shared>>)
          tpu.yield
        }) : () -> ()
      }
      %scan3A_24 = arith.constant 4 : i32
    }
    %barrier3A_14 = arith.constant 0 : index
    tpu.barrier barrier_id(%barrier3A_14)
    "tpu.region"() ({
      %run_scoped3A = tpu.sem_alloc : memref<!tpu.dma_semaphore, #tpu.memory_space<semaphore_mem>>
      %dma_start3A = arith.constant 0 : i32
      %dma_start3A_15 = tpu.memref_slice %arg6[%arg0, %mul3A_4, %dma_start3A] : memref<2x10240x128xf32, #tpu.memory_space<hbm>> -> memref<1x640x128xf32, #tpu.memory_space<hbm>>
      %dma_start3A_16 = tpu.memref_squeeze %dma_start3A_15 : memref<1x640x128xf32, #tpu.memory_space<hbm>> -> memref<640x128xf32, #tpu.memory_space<hbm>>
      %dma_start3A_17 = arith.constant 0 : i32
      %dma_start3A_18 = tpu.memref_slice %arg11[%mul3A_4, %dma_start3A_17] : memref<10240x128xf32, #tpu.memory_space<vmem_shared>> -> memref<640x128xf32, #tpu.memory_space<vmem_shared>>
      tpu.enqueue_dma source(%dma_start3A_18 : memref<640x128xf32, #tpu.memory_space<vmem_shared>>) target(%dma_start3A_16 : memref<640x128xf32, #tpu.memory_space<hbm>>) target_semaphore(%run_scoped3A : memref<!tpu.dma_semaphore, #tpu.memory_space<semaphore_mem>>)
      %dma_wait3A = arith.constant 0 : i32
      %dma_wait3A_19 = tpu.memref_slice %arg6[%arg0, %mul3A_4, %dma_wait3A] : memref<2x10240x128xf32, #tpu.memory_space<hbm>> -> memref<1x640x128xf32, #tpu.memory_space<hbm>>
      %dma_wait3A_20 = tpu.memref_squeeze %dma_wait3A_19 : memref<1x640x128xf32, #tpu.memory_space<hbm>> -> memref<640x128xf32, #tpu.memory_space<hbm>>
      %dma_wait3A_21 = arith.constant 0 : i32
      %dma_wait3A_22 = tpu.memref_slice %arg11[%mul3A_4, %dma_wait3A_21] : memref<10240x128xf32, #tpu.memory_space<vmem_shared>> -> memref<640x128xf32, #tpu.memory_space<vmem_shared>>
      tpu.wait_dma2 semaphore(%run_scoped3A : memref<!tpu.dma_semaphore, #tpu.memory_space<semaphore_mem>>) src(%dma_wait3A_22 : memref<640x128xf32, #tpu.memory_space<vmem_shared>>) dst(%dma_wait3A_20 : memref<640x128xf32, #tpu.memory_space<hbm>>)
      tpu.yield
    }) : () -> ()
    return
  }
}

module attributes {stable_mosaic.version = 14 : i64} {
  func.func @_lins_body(%arg0: i32, %arg1: memref<1000x128xf32, #tpu.memory_space<vmem>>, %arg2: memref<128x128xf32, #tpu.memory_space<vmem>>, %arg3: memref<1000x128xf32, #tpu.memory_space<vmem>>, %arg4: memref<1000x128xf32, #tpu.memory_space<vmem>>, %arg5: memref<1000x128xf32, #tpu.memory_space<vmem>>) attributes {dimension_semantics = [#tpu.dimension_semantics<arbitrary>], iteration_bounds = array<i64: 10>, scalar_prefetch = 0 : i64, scratch_operands = 0 : i64, tpu.core_type = #tpu.core_type<tc>, window_params = [{transform_indices = @transform_0, window_bounds = array<i64: 1000, 128>}, {pipeline_mode = #tpu.pipeline_mode<synchronous>, transform_indices = @transform_1, window_bounds = array<i64: 128, 128>}, {transform_indices = @transform_2, window_bounds = array<i64: 1000, 128>}, {transform_indices = @transform_3, window_bounds = array<i64: 1000, 128>}, {transform_indices = @transform_4, window_bounds = array<i64: 1000, 128>}]} {
    %get3A = arith.constant 0 : index
    %get3A_0 = arith.constant 0 : index
    %get3A_1 = vector.load %arg3[%get3A, %get3A_0] : memref<1000x128xf32, #tpu.memory_space<vmem>>, vector<1000x1xf32>
    %get3A_2 = arith.constant 0 : index
    %get3A_3 = arith.constant 0 : index
    %get3A_4 = vector.load %arg4[%get3A_2, %get3A_3] : memref<1000x128xf32, #tpu.memory_space<vmem>>, vector<1000x1xf32>
    %add3A = arith.addf %get3A_1, %get3A_4 : vector<1000x1xf32>
    %add3A_5 = arith.constant 1.000000e+00 : f32
    %add3A_6 = vector.broadcast %add3A_5 : f32 to vector<1000x1xf32>
    %add3A_7 = arith.addf %add3A, %add3A_6 : vector<1000x1xf32>
    %rsqrt3A = math.rsqrt %add3A_7 : vector<1000x1xf32>
    %get3A_8 = arith.constant 0 : index
    %get3A_9 = arith.constant 0 : index
    %get3A_10 = vector.load %arg1[%get3A_8, %get3A_9] : memref<1000x128xf32, #tpu.memory_space<vmem>>, vector<1000x128xf32>
    %get3A_11 = arith.constant 0 : index
    %get3A_12 = arith.constant 0 : index
    %get3A_13 = vector.load %arg2[%get3A_11, %get3A_12] : memref<128x128xf32, #tpu.memory_space<vmem>>, vector<128x128xf32>
    %dot_general3A = arith.constant dense<0.000000e+00> : vector<1000x128xf32>
    %dot_general3A_14 = tpu.matmul %get3A_10, %get3A_13, %dot_general3A {dimension_numbers = #tpu.dot_dimension_numbers<[1], [0], [0], [1], [0, 0, 1, 1], [], []>, transpose_lhs_hint = false} : vector<1000x128xf32>, vector<128x128xf32>, vector<1000x128xf32> -> vector<1000x128xf32>
    %mul3A = vector.broadcast %rsqrt3A : vector<1000x1xf32> to vector<1000x128xf32>
    %mul3A_15 = arith.mulf %dot_general3A_14, %mul3A : vector<1000x128xf32>
    %swap3A = arith.constant 0 : index
    %swap3A_16 = arith.constant 0 : index
    %swap3A_17 = vector.load %arg5[%swap3A, %swap3A_16] : memref<1000x128xf32, #tpu.memory_space<vmem>>, vector<1000x128xf32>
    tpu.vector_store %arg5[%swap3A, %swap3A_16], %mul3A_15 {strides = array<i32>} : memref<1000x128xf32, #tpu.memory_space<vmem>>, vector<1000x128xf32>,
    return
  }
  func.func @transform_0(%arg0: i32) -> (i32, i32) {
    %c0_i32 = arith.constant 0 : i32
    %c0_i32_0 = arith.constant 0 : i32
    return %arg0, %c0_i32 : i32, i32
  }
  func.func @transform_1(%arg0: i32) -> (i32, i32) {
    %c0_i32 = arith.constant 0 : i32
    %c0_i32_0 = arith.constant 0 : i32
    %c0_i32_1 = arith.constant 0 : i32
    return %c0_i32, %c0_i32_0 : i32, i32
  }
  func.func @transform_2(%arg0: i32) -> (i32, i32) {
    %c0_i32 = arith.constant 0 : i32
    %c0_i32_0 = arith.constant 0 : i32
    return %arg0, %c0_i32 : i32, i32
  }
  func.func @transform_3(%arg0: i32) -> (i32, i32) {
    %c0_i32 = arith.constant 0 : i32
    %c0_i32_0 = arith.constant 0 : i32
    return %arg0, %c0_i32 : i32, i32
  }
  func.func @transform_4(%arg0: i32) -> (i32, i32) {
    %c0_i32 = arith.constant 0 : i32
    %c0_i32_0 = arith.constant 0 : i32
    return %arg0, %c0_i32 : i32, i32
  }
}

module attributes {stable_mosaic.version = 14 : i64} {
  func.func @_out_body(%arg0: i32, %arg1: memref<1000x128xf32, #tpu.memory_space<vmem>>, %arg2: memref<1000x128xf32, #tpu.memory_space<vmem>>, %arg3: memref<1000x128xf32, #tpu.memory_space<vmem>>, %arg4: memref<1000x128xf32, #tpu.memory_space<vmem>>, %arg5: memref<1000x128xf32, #tpu.memory_space<vmem>>, %arg6: memref<1x128xf32, #tpu.memory_space<vmem>>, %arg7: memref<1000x128xf32, #tpu.memory_space<vmem>>) attributes {dimension_semantics = [#tpu.dimension_semantics<arbitrary>], iteration_bounds = array<i64: 10>, scalar_prefetch = 0 : i64, scratch_operands = 0 : i64, tpu.core_type = #tpu.core_type<tc>, window_params = [{transform_indices = @transform_0, window_bounds = array<i64: 1000, 128>}, {transform_indices = @transform_1, window_bounds = array<i64: 1000, 128>}, {transform_indices = @transform_2, window_bounds = array<i64: 1000, 128>}, {transform_indices = @transform_3, window_bounds = array<i64: 1000, 128>}, {transform_indices = @transform_4, window_bounds = array<i64: 1000, 128>}, {pipeline_mode = #tpu.pipeline_mode<synchronous>, transform_indices = @transform_5, window_bounds = array<i64: 1, 128>}, {transform_indices = @transform_6, window_bounds = array<i64: 1000, 128>}]} {
    %get3A = arith.constant 0 : index
    %get3A_0 = arith.constant 0 : index
    %get3A_1 = vector.load %arg4[%get3A, %get3A_0] : memref<1000x128xf32, #tpu.memory_space<vmem>>, vector<1000x1xf32>
    %get3A_2 = arith.constant 0 : index
    %get3A_3 = arith.constant 0 : index
    %get3A_4 = vector.load %arg5[%get3A_2, %get3A_3] : memref<1000x128xf32, #tpu.memory_space<vmem>>, vector<1000x1xf32>
    %add3A = arith.addf %get3A_1, %get3A_4 : vector<1000x1xf32>
    %add3A_5 = arith.constant 1.000000e+00 : f32
    %add3A_6 = vector.broadcast %add3A_5 : f32 to vector<1000x1xf32>
    %add3A_7 = arith.addf %add3A, %add3A_6 : vector<1000x1xf32>
    %rsqrt3A = math.rsqrt %add3A_7 : vector<1000x1xf32>
    %get3A_8 = arith.constant 0 : index
    %get3A_9 = arith.constant 0 : index
    %get3A_10 = vector.load %arg1[%get3A_8, %get3A_9] : memref<1000x128xf32, #tpu.memory_space<vmem>>, vector<1000x128xf32>
    %get3A_11 = arith.constant 0 : index
    %get3A_12 = arith.constant 0 : index
    %get3A_13 = vector.load %arg2[%get3A_11, %get3A_12] : memref<1000x128xf32, #tpu.memory_space<vmem>>, vector<1000x128xf32>
    %add3A_14 = arith.addf %get3A_10, %get3A_13 : vector<1000x128xf32>
    %get3A_15 = arith.constant 0 : index
    %get3A_16 = arith.constant 0 : index
    %get3A_17 = vector.load %arg3[%get3A_15, %get3A_16] : memref<1000x128xf32, #tpu.memory_space<vmem>>, vector<1000x128xf32>
    %add3A_18 = arith.addf %add3A_14, %get3A_17 : vector<1000x128xf32>
    %mul3A = vector.broadcast %rsqrt3A : vector<1000x1xf32> to vector<1000x128xf32>
    %mul3A_19 = arith.mulf %add3A_18, %mul3A : vector<1000x128xf32>
    %get3A_20 = arith.constant 0 : index
    %get3A_21 = arith.constant 0 : index
    %get3A_22 = vector.load %arg6[%get3A_20, %get3A_21] : memref<1x128xf32, #tpu.memory_space<vmem>>, vector<1x128xf32>
    %add3A_23 = vector.broadcast %get3A_22 : vector<1x128xf32> to vector<1000x128xf32>
    %add3A_24 = arith.addf %mul3A_19, %add3A_23 : vector<1000x128xf32>
    %max3A = arith.constant 0.000000e+00 : f32
    %max3A_25 = vector.broadcast %max3A : f32 to vector<1000x128xf32>
    %max3A_26 = arith.maximumf %add3A_24, %max3A_25 : vector<1000x128xf32>
    %swap3A = arith.constant 0 : index
    %swap3A_27 = arith.constant 0 : index
    %swap3A_28 = vector.load %arg7[%swap3A, %swap3A_27] : memref<1000x128xf32, #tpu.memory_space<vmem>>, vector<1000x128xf32>
    tpu.vector_store %arg7[%swap3A, %swap3A_27], %max3A_26 {strides = array<i32>} : memref<1000x128xf32, #tpu.memory_space<vmem>>, vector<1000x128xf32>,
    return
  }
  func.func @transform_0(%arg0: i32) -> (i32, i32) {
    %c0_i32 = arith.constant 0 : i32
    %c0_i32_0 = arith.constant 0 : i32
    return %arg0, %c0_i32 : i32, i32
  }
  func.func @transform_1(%arg0: i32) -> (i32, i32) {
    %c0_i32 = arith.constant 0 : i32
    %c0_i32_0 = arith.constant 0 : i32
    return %arg0, %c0_i32 : i32, i32
  }
  func.func @transform_2(%arg0: i32) -> (i32, i32) {
    %c0_i32 = arith.constant 0 : i32
    %c0_i32_0 = arith.constant 0 : i32
    return %arg0, %c0_i32 : i32, i32
  }
  func.func @transform_3(%arg0: i32) -> (i32, i32) {
    %c0_i32 = arith.constant 0 : i32
    %c0_i32_0 = arith.constant 0 : i32
    return %arg0, %c0_i32 : i32, i32
  }
  func.func @transform_4(%arg0: i32) -> (i32, i32) {
    %c0_i32 = arith.constant 0 : i32
    %c0_i32_0 = arith.constant 0 : i32
    return %arg0, %c0_i32 : i32, i32
  }
  func.func @transform_5(%arg0: i32) -> (i32, i32) {
    %c0_i32 = arith.constant 0 : i32
    %c0_i32_0 = arith.constant 0 : i32
    %c0_i32_1 = arith.constant 0 : i32
    return %c0_i32, %c0_i32_0 : i32, i32
  }
  func.func @transform_6(%arg0: i32) -> (i32, i32) {
    %c0_i32 = arith.constant 0 : i32
    %c0_i32_0 = arith.constant 0 : i32
    return %arg0, %c0_i32 : i32, i32
  }
}

</mosaic_0001>

<sc_bundles>
// kernel: kernel.6.cloned.1.call-start
scs
__scs_entry_jumppad:
0x0: {  	(pc) =	sbr.rel $0x88, $3  }
0x1: {  	(tag) =	ssettag $0x0;
	lr =	simm.s32 $0x1  }
0x2: {  	[smem:$0x3F9D] =	sst lr;
	_ =	strace $0xD0000000  }
0x3: {  	_ = 	snop  }
0x4: {  	_ = 	snop  }
0x5: {  	_ = 	snop  }
0x6: {  	_ = 	snop  }
0x7: {  	_ = 	snop  }
__scs_overlays_trampoline_lowered:
0x8: {  	[smem:$0x3FAC] =	sst s0  }
0x9: {  	[smem:$0x3FAD] =	sst s1  }
0xa: {  	[smem:$0x3FAE] =	sst s2  }
0xb: {  	[smem:$0x3FAF] =	sst s3  }
0xc: {  	[smem:$0x3FB0] =	sst s4  }
0xd: {  	[smem:$0x3FB1] =	sst s5  }
0xe: {  	[smem:$0x3FB2] =	sst s6  }
0xf: {  	[smem:$0x3FB3] =	sst s7  }
0x10: {  	[smem:$0x3FB4] =	sst s8  }
0x11: {  	[smem:$0x3FB5] =	sst s9;
	s0 =	simm.s32 @!p0 $0x0  }
0x12: {  	s1 =	sld [smem:$0x3F9B];
	s0 =	simm.s32 @p0 $0x1  }
0x13: {  	[smem:$0x3FB6] =	sst s0;
	s0 =	simm.s32 @!p1 $0x0  }
0x14: {  	s2 =	sld [smem:$0x3F9A];
	s0 =	simm.s32 @p1 $0x1  }
0x15: {  	[smem:$0x3FB7] =	sst s0;
	s0 =	simm.s32 @!p2 $0x0  }
0x16: {  	s3 =	sld [smem:$0x3FDB];
	s0 =	simm.s32 @p2 $0x1  }
0x17: {  	s4 =	simm.s32 $0x1BF5;
	[smem:$0x3FB9] =	sst s0  }
0x18: {  	s0 =	sld [smem:$0x3F9C];
	_ =	swait.ge [sflag:s4], $0x0  }
0x19: {  	s7 =	sld [smem:$0x3F9D]  }
0x1a: {  	s8 =	sadd.s32 $0xFFFFE003, lr  }
0x1b: {  	s9 =	sadd.s32 $0xFFFFFEF7, lr;
	s5 =	simm.s32 $0xFFFFFFFF;
	p2 =	slt.u32 s8, $0xFFFFF086  }
0x1c: {  	p1 =	slt.u32 s9, $0xF7A;
	s5 =	simm.s32 @!p2 $0x0  }
0x1d: {  	s5 =	simm.s32 @p1 $0x1;
	p0 =	seq.s32 s7, s2  }
0x1e: {  	s7 =	smul.u32 @!p0 $0xF7A, s2;
	p2 =	seq.s32 @!p0 s5, $0x0  }
0x1f: {  	s9 =	smul.u32 $0xF7A, s1;
	s8 =	simm.s32 @!p0 $0x1BF5;
	p2 =	por !p2, p0  }
0x20: {  	[sflag:s8] =	ssyncset.s32 @!p0 $0xFFFFF086;
	s6 =	sadd.s32 @!p0 s3, s7;
	s7 =	simm.s32 @!p0 $0x108  }
0x21: {  	s3 =	sadd.s32 s3, s9;
	s6 =	sadd.s32 @!p0 $0x88, s6;
	s7 =	simm.s32 @p2 $0x1082  }
0x22: {  	[simem:s7], [sflag:s8] =	dma.local @!p0 [hbm:s6], $0xF7A  }
0x23: {  	s9 =	sor.u32 $0xD0000000, s2;
	s6 =	simm.s32 $0x108;
	_ =	swait.ge @!p0 [sflag:s8], $0x0  }
0x24: {  	s3 =	sadd.s32 $0x88, s3;
	s6 =	simm.s32 @!p1 $0x1082;
	[sflag:s4] =	ssyncset.s32 $0xFFFFF086  }
0x25: {  	[simem:s6], [sflag:s4] =	dma.local [hbm:s3], $0xF7A  }
0x26: {  	[smem:$0x3F9D] =	sst s1;
	(tag) =	ssettag s2;
	_ =	strace s9  }
0x27: {  	s1 =	sld [smem:$0x3FAD]  }
0x28: {  	s2 =	sld [smem:$0x3FAE]  }
0x29: {  	s4 =	sld [smem:$0x3FB0]  }
0x2a: {  	p0 =	seq.s32 s5, $0x0;
	s5 =	sld [smem:$0x3FB1]  }
0x2b: {  	s6 =	sld [smem:$0x3FB2]  }
0x2c: {  	s7 =	sld [smem:$0x3FB3]  }
0x2d: {  	s3 =	simm.s32 $0x108;
	s8 =	sld [smem:$0x3FB4]  }
0x2e: {  	s3 =	simm.s32 @!p0 $0x1082;
	s9 =	sld [smem:$0x3FB5]  }
0x2f: {  	lr =	sadd.s32 s0, s3;
	s0 =	sld [smem:$0x3FAC]  }
0x30: {  	s3 =	sld [smem:$0x3FAF]  }
0x31: {  	[smem:$0x3FB8] =	sst s10  }
0x32: {  	s10 =	sld [smem:$0x3FB6];
	_ =	sdelay $0x3  }
0x33: {  	p0 =	seq.s32 s10, $0x1;
	s10 =	sld [smem:$0x3FB8];
	_ =	sdelay $0x3  }
0x34: {  	[smem:$0x3FB8] =	sst s10  }
0x35: {  	s10 =	sld [smem:$0x3FB7];
	_ =	sdelay $0x3  }
0x36: {  	p1 =	seq.s32 s10, $0x1;
	s10 =	sld [smem:$0x3FB8];
	_ =	sdelay $0x3  }
0x37: {  	[smem:$0x3FB8] =	sst s10  }
0x38: {  	s10 =	sld [smem:$0x3FB9]  }
0x39: {  	_ = 	snop;
	(pc) =	sbr.ind lr, $3  }
0x3a: {  	_ = 	snop  }
0x3b: {  	_ = 	snop  }
0x3c: {  	p2 =	seq.s32 s10, $0x1;
	s10 =	sld [smem:$0x3FB8]  }
0x3d: {  	_ =	shalt  }
0x3e: {  	_ =	shalt  }
0x3f: {  	_ =	shalt  }
0x40: {  	_ =	shalt  }
0x41: {  	_ =	shalt  }
0x42: {  	_ =	shalt  }
0x43: {  	_ =	shalt  }
0x44: {  	_ =	shalt  }
0x45: {  	_ =	shalt  }
0x46: {  	_ =	shalt  }
0x47: {  	_ =	shalt  }
0x48: {  	_ =	shalt  }
0x49: {  	_ =	shalt  }
0x4a: {  	_ =	shalt  }
0x4b: {  	_ =	shalt  }
0x4c: {  	_ =	shalt  }
0x4d: {  	_ =	shalt  }
0x4e: {  	_ =	shalt  }
0x4f: {  	_ =	shalt  }
0x50: {  	_ =	shalt  }
0x51: {  	_ =	shalt  }
0x52: {  	_ =	shalt  }
0x53: {  	_ =	shalt  }
0x54: {  	_ =	shalt  }
0x55: {  	_ =	shalt  }
0x56: {  	_ =	shalt  }
0x57: {  	_ =	shalt  }
0x58: {  	_ =	shalt  }
0x59: {  	_ =	shalt  }
0x5a: {  	_ =	shalt  }
0x5b: {  	_ =	shalt  }
0x5c: {  	_ =	shalt  }
0x5d: {  	_ =	shalt  }
0x5e: {  	_ =	shalt  }
0x5f: {  	_ =	shalt  }
0x60: {  	_ =	shalt  }
0x61: {  	_ =	shalt  }
0x62: {  	_ =	shalt  }
0x63: {  	_ =	shalt  }
0x64: {  	_ =	shalt  }
0x65: {  	_ =	shalt  }
0x66: {  	_ =	shalt  }
0x67: {  	_ =	shalt  }
0x68: {  	_ =	shalt  }
0x69: {  	_ =	shalt  }
0x6a: {  	_ =	shalt  }
0x6b: {  	_ =	shalt  }
0x6c: {  	_ =	shalt  }
0x6d: {  	_ =	shalt  }
0x6e: {  	_ =	shalt  }
0x6f: {  	_ =	shalt  }
0x70: {  	_ =	shalt  }
0x71: {  	_ =	shalt  }
0x72: {  	_ =	shalt  }
0x73: {  	_ =	shalt  }
0x74: {  	_ =	shalt  }
0x75: {  	_ =	shalt  }
0x76: {  	_ =	shalt  }
0x77: {  	_ =	shalt  }
0x78: {  	_ =	shalt  }
0x79: {  	_ =	shalt  }
0x7a: {  	_ =	shalt  }
0x7b: {  	_ =	shalt  }
0x7c: {  	_ =	shalt  }
0x7d: {  	_ =	shalt  }
0x7e: {  	_ =	shalt  }
0x7f: {  	_ =	shalt  }
0x80: {  	_ =	shalt  }
0x81: {  	_ =	shalt  }
0x82: {  	_ =	shalt  }
0x83: {  	_ =	shalt  }
0x84: {  	_ =	shalt  }
0x85: {  	_ =	shalt  }
0x86: {  	_ =	shalt  }
0x87: {  	_ =	shalt  }
.Lfunc_end0:
.L_simem_size_0:
called_computation_lowered:
.L_overlay_start_0:
0x88: {  	s2 =	sld [smem:$0x3FD9]  }
0x89: {  	s3 =	sld [smem:$0x3FFE];
	_ =	sdelay $0x1  }
0x8a: {  	s1 =	srdreg.scid  }
0x8b: {  	s0 =	sand.u32 $0x1, s1  }
0x8c: {  	s17 =	sshll.u32 s0, $0xA;
	s2 =	sadd.s32 s3, s2  }
0x8d: {  	s2 =	sadd.s32 s2, s17  }
0x8e: {  	[smem:$0x3FC4] =	sst s2  }
0x8f: {  	_ = 	snop  }
0x90: {  	s2 =	sld [smem:$0x3FD0];
	(tm) =	ssettm $0x1  }
0x91: {  	s18 =	sld [smem:$0x3FFB];
	_ =	sdelay $0x3  }
0x92: {  	_ =	strace s18  }
0x93: {  	s3 =	sld [smem:$0x3FFC];
	_ =	sdelay $0x3  }
0x94: {  	_ =	strace s3  }
0x95: {  	s3 =	sld [smem:$0x3FFD];
	_ =	sdelay $0x3  }
0x96: {  	_ =	strace s3  }
0x97: {  	_ =	strace $0x8FFFFFFF  }
0x98: {  	s19 =	sld [smem:$0x3FDB];
	_ =	sdelay $0x1  }
0x99: {  	s4 =	simm.s32 $_scs_section_size  }
0x9a: {  	s5 =	simm.s32 $_size__tile_overlayer_lowered;
	s6 =	simm.s32 $_tile_overlayer_lowered  }
0x9b: {  	s22 =	simm.s32 $0x1BFF;
	s21 =	sshll.u32 s6, $0x1;
	s3 =	sadd.s32 s4, s19  }
0x9c: {  	s7 =	simm.s32 $0x0;
	s20 =	sshll.u32 s5, $0x1;
	s5 =	sadd.s32 s21, s3  }
0x9d: {  	[timem:s7], [sflag:s22] =	dma.local [hbm:s5], s20  }
0x9e: {  	_ =	swait.ge [sflag:s22], s20  }
0x9f: {  	s4 =	ssub.s32 $0x0, s20;
	[sflag:s22] =	ssyncset.done $0x0  }
0xa0: {  	[sflag:s22] =	ssyncadd.s32 s4;
	_ =	sdelay $0x1  }
0xa1: {  	s23 =	simm.s32 $0x1B8B  }
0xa2: {  	_ =	swait.ge [sflag:s23], $0x1  }
0xa3: {  	[sflag:s23] =	ssyncset.done $0x0  }
0xa4: {  	s25 =	simm.s32 $0x1B8E;
	s24 =	sld [smem:$0x3FFE];
	[sflag:s23] =	ssyncadd.s32 $0xFFFFFFFF  }
0xa5: {  	s26 =	simm.s32 $execute0_lowered;
	[smem:$0x3FD2] =	sst s25  }
0xa6: {  	s5 =	sshll.u32 s26, $0x1;
	_ =	strace $0x80000046;
	[dreg:$0x1] =	wrdreg $0xFFFFFFFF  }
0xa7: {  	s28 =	simm.s32 $_size_execute0_lowered;
	s3 =	sadd.s32 s3, s5;
	[dreg:$0x0] =	wrdreg $0x0  }
0xa8: {  	s5 =	sshll.u32 s28, $0x1;
	[dreg:$0x2] =	wrdreg s3  }
0xa9: {  	[dreg:$0x3] =	wrdreg s5  }
0xaa: {  	[dreg:$0x4] =	wrdreg $0xC0  }
0xab: {  	_ =	task [dreg:s7], $0x5FFFF  }
0xac: {  	[dreg:$0x1] =	wrdreg $0xFFFFFFFF  }
0xad: {  	[dreg:$0x0] =	wrdreg $0x60  }
0xae: {  	[dreg:$0x2] =	wrdreg s2  }
0xaf: {  	[dreg:$0x3] =	wrdreg s24  }
0xb0: {  	[dreg:$0x4] =	wrdreg $0x68000  }
0xb1: {  	[dreg:$0x5] =	wrdreg $0x9  }
0xb2: {  	_ =	task.clear_ibuf [dreg:s7], $0x6FFFF;
	_ =	strace $0x90000046  }
0xb3: {  	s29 =	simm.s32 $0x9;
	_ =	strace $0x80000048  }
0xb4: {  	_ =	swait.ge [sflag:s29], $0x1  }
0xb5: {  	[sflag:s29] =	ssyncadd.s32 $0xFFFFFFFF  }
0xb6: {  	_ =	strace $0x90000048  }
0xb7: {  	_ =	sfence  }
0xb8: {  	s30 =	sld [smem:$0x0];
	_ =	sdelay $0x2  }
0xb9: {  	s31 =	sshll.u32 s1, $0xD;
	s1 =	sshrl.u32 s1, $0x2  }
0xba: {  	s3 =	sand.u32 $0x4000, s31;
	s1 =	sadd.s32 s1, s30  }
0xbb: {  	s0 =	sor.u32 s3, s0;
	s1 =	sshll.u32 s1, $0x11  }
0xbc: {  	s0 =	sor.u32 s1, s0  }
0xbd: {  	s0 =	sadd.s32 $0x8F2B, s0  }
0xbe: {  	[sflag:s0] =	ssyncadd.remote.s32 $0x1  }
0xbf: {  	_ =	sfence.sel $0xFFFF  }
0xc0: {  	[dreg:$0x0] =	wrdreg $0xFFFFFFFF;
	(pc) =	sbr.abs _section_cstart, $3  }
0xc1: {  	[dreg:$0x1] =	wrdreg $0xFFFFFFFF  }
0xc2: {  	_ =	task.clear_ibuf [dreg:s7], $0x2FFFF;
	_ =	strace $0x9FFFFFFF  }
0xc3: {  	(tm) =	ssettm $0x7FFFFFFF  }
tec
execute0_lowered:
.L_overlay_start_1:
0x0: {  	(tag) =	ssettag $0x1  }
0x1: {  	s5 =	rddreg [dreg:$0x0]  }
0x2: {  	s6 =	rddreg [dreg:$0x1]  }
0x3: {  	s2 =	rddreg [dreg:$0x2]  }
0x4: {  	s0 =	rddreg [dreg:$0x3];
	s1 =	stileid.u32  }
0x5: {  	s4 =	srdreg.scid;
	s3 =	simm.s32 $0x0;
	s13 =	simm.s32 $0x80  }
0x6: {  	s14 =	simm.s32 $0x0;
	s7 =	smul.u32 $0x14000, s1;
	s8 =	sand.u32 $0x1, s4  }
0x7: {  	[smem:$0x7FF] =	sst s3;
	s4 =	sadd.s32 $0x1800, s6;
	s11 =	smul.u32 $0x50000, s1  }
0x8: {  	s31 =	sshll.u32 s1, $0x6;
	s9 =	smul.u32 $0x140000, s8;
	_ =	strace $0x80000047  }
0x9: {  	s28 =	sshll.u32 s8, $0x4;
	s8 =	ssub.s32 $0x2, s8;
	s10 =	sshrl.u32 s7, $0x3  }
0xa: {  	s12 =	sshrl.u32 s8, $0x1;
	s29 =	sshrl.u32 s11, $0x2;
	s11 =	sor.u32 $0x1C01, s31  }
0xb: {  	s10 =	sadd.s32 s10, s6;
	s7 =	sadd.s32 s7, s9;
	s9 =	sor.u32 s1, s28  }
0xc: {  	s8 =	ssub.s32 s8, s12;
	s30 =	sadd.s32 s29, s2;
	s7 =	sshrl.u32 s7, $0x3  }
0xd: {  	s9 =	smul.u32 $0x500, s9;
	s8 =	smax.u32 s8, $0x1;
	s12 =	sshrl.u32 s30, $0x3  }
0xe: {  	s7 =	sadd.s32 s7, s6;
	s6 =	sadd.s32 $0x2000, s10;
	s10 =	simm.s32 $0x2800  }
0xf: {  	s5 =	sadd.s32 s5, s9;
	s7 =	sadd.s32 $0x2A000, s7;
	s9 =	simm.s32 $0x1  }
.LBB2_1:
0x10: {  	[tilespmem:s3], [sflag:$0x1] =	stream.linear.gather [hbm4b:s5+s3], $0x2800, $0x38;
	[tilespmem:$0x1A800] =	vst v63  }
0x11: {  	_ =	swait.ge [sflag:s9], $0x2800  }
0x12: {  	[sflag:s9] =	ssyncset.done $0x0  }
0x13: {  	[sflag:s9] =	ssyncadd.s32 $0xFFFFD800  }
0x14: {  	[tilespmem:s10], [sflag:$0x1] =	stream.linear.gather [hbm4b:s4+s3], $0x4000, $0x38;
	[tilespmem:$0x1A800] =	vst v63  }
0x15: {  	_ =	swait.ge [sflag:s9], $0x4000  }
0x16: {  	[sflag:s9] =	ssyncset.done $0x0  }
0x17: {  	[sflag:s9] =	ssyncadd.s32 $0xFFFFC000  }
0x18: {  	[spmem:s12], [sflag:s11] =	dma.local [hbm:s6], $0x2800  }
0x19: {  	_ =	swait.ge [sflag:s9], $0x2800  }
0x1a: {  	[sflag:s9] =	ssyncset.done $0x0  }
0x1b: {  	[sflag:s9] =	ssyncadd.s32 $0xFFFFD800  }
0x1c: {  	s15 =	simm.s32 $0x0;
	[bflag:$0x0] =	sbarrier.arrive $0xFFFF  }
0x1d: {  	[spmem:s2] =	stream.indirect.scatter.add.f32 [tilespmem:s10], [sflag:$0x1], $0x80, s15, s13, $0xb8;
	[tilespmem:$0x1A800] =	vst v63  }
0x1e: {  	_ =	swait.ge [sflag:s9], $0x4000  }
0x1f: {  	s15 =	simm.s32 $0x200;
	[sflag:s9] =	ssyncset.done $0x0  }
.LBB2_2:
0x20: {  	s16 =	sshra.s32 s15, $0x2;
	[sflag:s9] =	ssyncadd.s32 $0xFFFFC000;
	p0 =	sne.s32 s15, $0x9E00  }
0x21: {  	[spmem:s2] =	stream.indirect.scatter.add.f32 [tilespmem:s10], [sflag:$0x1], $0x80, s16, s13, $0xb8;
	[tilespmem:$0x1A800] =	vst v63  }
.Ltmp0:
0x22: {  	_ = 	snop;
	(pc) =	sbr.rel @p0 .LBB2_2-.Ltmp0, $4  }
0x23: {  	_ = 	snop  }
0x24: {  	s15 =	sadd.s32 $0x200, s15  }
0x25: {  	_ =	swait.ge [sflag:s9], $0x4000  }
0x26: {  	[sflag:s9] =	ssyncset.done $0x0  }
0x27: {  	s14 =	sadd.s32 $0x1, s14  }
0x28: {  	[sflag:s9] =	ssyncadd.s32 $0xFFFFC000;
	p0 =	sne.s32 s14, s8  }
.Ltmp1:
0x29: {  	[bflag:$0x0] =	sbarrier.arrive $0xFFFF;
	(pc) =	sbr.rel @p0 .LBB2_1-.Ltmp1, $4  }
0x2a: {  	[hbm:s7], [sflag:s11] =	dma.local [spmem:s12], $0x2800  }
0x2b: {  	_ =	swait.ge [sflag:s9], $0x2800  }
0x2c: {  	[sflag:s9] =	ssyncset.done $0x0  }
0x2d: {  	[sflag:s9] =	ssyncadd.s32 $0xFFFFD800  }
0x2e: {  	_ =	sfence.sel $0x180000  }
0x2f: {  	[bflag:$0x0] =	sbarrier.arrive $0xFFFF  }
0x30: {  	p0 =	sne.s32 s1, $0x0;
	_ =	strace $0x90000047  }
0x31: {  	s0 =	sadd.s32 @!p0 $0x100000, s0;
	[bflag:$0x2] =	sbarrier.arrive $0xFFFF  }
0x32: {  	[sflag:s0] =	ssyncadd.tile.s32 @!p0 $0x1;
	_ =	shalt  }
.Lfunc_end2:
_tile_overlayer_lowered:
.L_overlay_start_2:
0x33: {  	(tag) =	ssettag $0x2  }
0x34: {  	s0 =	rddreg [dreg:$0x0];
	s2 =	stileid.u32  }
0x35: {  	s1 =	rddreg [dreg:$0x1];
	p0 =	sne.s32 s2, $0x0  }
0x36: {  	s3 =	rddreg [dreg:$0x2];
	[bflag:$0x3] =	sbarrier.arrive $0xFFFF;
	s2 =	simm.s32 @!p0 $0x1C01  }
0x37: {  	[timem:s3], [sflag:s2] =	dma.local @!p0 [hbm:s0], s1  }
0x38: {  	s0 =	simm.s32 @!p0 $0x1  }
0x39: {  	_ =	swait.ge @!p0 [sflag:s0], s1  }
0x3a: {  	s1 =	ssub.s32 @!p0 $0x0, s1;
	[sflag:s0] =	ssyncset.done @!p0 $0x0  }
0x3b: {  	[sflag:s0] =	ssyncadd.s32 @!p0 s1  }
0x3c: {  	[bflag:$0x3] =	sbarrier.arrive $0xFFFF  }
0x3d: {  	_ =	shalt  }

// kernel: kernel.9.cloned.1.call-start
scs
__scs_entry_jumppad:
0x0: {  	(pc) =	sbr.rel $0x88, $3  }
0x1: {  	(tag) =	ssettag $0x0;
	lr =	simm.s32 $0x1  }
0x2: {  	[smem:$0x3F9D] =	sst lr;
	_ =	strace $0xD0000000  }
0x3: {  	_ = 	snop  }
0x4: {  	_ = 	snop  }
0x5: {  	_ = 	snop  }
0x6: {  	_ = 	snop  }
0x7: {  	_ = 	snop  }
__scs_overlays_trampoline_lowered:
0x8: {  	[smem:$0x3FAC] =	sst s0  }
0x9: {  	[smem:$0x3FAD] =	sst s1  }
0xa: {  	[smem:$0x3FAE] =	sst s2  }
0xb: {  	[smem:$0x3FAF] =	sst s3  }
0xc: {  	[smem:$0x3FB0] =	sst s4  }
0xd: {  	[smem:$0x3FB1] =	sst s5  }
0xe: {  	[smem:$0x3FB2] =	sst s6  }
0xf: {  	[smem:$0x3FB3] =	sst s7  }
0x10: {  	[smem:$0x3FB4] =	sst s8  }
0x11: {  	[smem:$0x3FB5] =	sst s9;
	s0 =	simm.s32 @!p0 $0x0  }
0x12: {  	s1 =	sld [smem:$0x3F9B];
	s0 =	simm.s32 @p0 $0x1  }
0x13: {  	[smem:$0x3FB6] =	sst s0;
	s0 =	simm.s32 @!p1 $0x0  }
0x14: {  	s2 =	sld [smem:$0x3F9A];
	s0 =	simm.s32 @p1 $0x1  }
0x15: {  	[smem:$0x3FB7] =	sst s0;
	s0 =	simm.s32 @!p2 $0x0  }
0x16: {  	s3 =	sld [smem:$0x3FDB];
	s0 =	simm.s32 @p2 $0x1  }
0x17: {  	s4 =	simm.s32 $0x1BF5;
	[smem:$0x3FB9] =	sst s0  }
0x18: {  	s0 =	sld [smem:$0x3F9C];
	_ =	swait.ge [sflag:s4], $0x0  }
0x19: {  	s7 =	sld [smem:$0x3F9D]  }
0x1a: {  	s8 =	sadd.s32 $0xFFFFE003, lr  }
0x1b: {  	s9 =	sadd.s32 $0xFFFFFEF7, lr;
	s5 =	simm.s32 $0xFFFFFFFF;
	p2 =	slt.u32 s8, $0xFFFFF086  }
0x1c: {  	p1 =	slt.u32 s9, $0xF7A;
	s5 =	simm.s32 @!p2 $0x0  }
0x1d: {  	s5 =	simm.s32 @p1 $0x1;
	p0 =	seq.s32 s7, s2  }
0x1e: {  	s7 =	smul.u32 @!p0 $0xF7A, s2;
	p2 =	seq.s32 @!p0 s5, $0x0  }
0x1f: {  	s9 =	smul.u32 $0xF7A, s1;
	s8 =	simm.s32 @!p0 $0x1BF5;
	p2 =	por !p2, p0  }
0x20: {  	[sflag:s8] =	ssyncset.s32 @!p0 $0xFFFFF086;
	s6 =	sadd.s32 @!p0 s3, s7;
	s7 =	simm.s32 @!p0 $0x108  }
0x21: {  	s3 =	sadd.s32 s3, s9;
	s6 =	sadd.s32 @!p0 $0x88, s6;
	s7 =	simm.s32 @p2 $0x1082  }
0x22: {  	[simem:s7], [sflag:s8] =	dma.local @!p0 [hbm:s6], $0xF7A  }
0x23: {  	s9 =	sor.u32 $0xD0000000, s2;
	s6 =	simm.s32 $0x108;
	_ =	swait.ge @!p0 [sflag:s8], $0x0  }
0x24: {  	s3 =	sadd.s32 $0x88, s3;
	s6 =	simm.s32 @!p1 $0x1082;
	[sflag:s4] =	ssyncset.s32 $0xFFFFF086  }
0x25: {  	[simem:s6], [sflag:s4] =	dma.local [hbm:s3], $0xF7A  }
0x26: {  	[smem:$0x3F9D] =	sst s1;
	(tag) =	ssettag s2;
	_ =	strace s9  }
0x27: {  	s1 =	sld [smem:$0x3FAD]  }
0x28: {  	s2 =	sld [smem:$0x3FAE]  }
0x29: {  	s4 =	sld [smem:$0x3FB0]  }
0x2a: {  	p0 =	seq.s32 s5, $0x0;
	s5 =	sld [smem:$0x3FB1]  }
0x2b: {  	s6 =	sld [smem:$0x3FB2]  }
0x2c: {  	s7 =	sld [smem:$0x3FB3]  }
0x2d: {  	s3 =	simm.s32 $0x108;
	s8 =	sld [smem:$0x3FB4]  }
0x2e: {  	s3 =	simm.s32 @!p0 $0x1082;
	s9 =	sld [smem:$0x3FB5]  }
0x2f: {  	lr =	sadd.s32 s0, s3;
	s0 =	sld [smem:$0x3FAC]  }
0x30: {  	s3 =	sld [smem:$0x3FAF]  }
0x31: {  	[smem:$0x3FB8] =	sst s10  }
0x32: {  	s10 =	sld [smem:$0x3FB6];
	_ =	sdelay $0x3  }
0x33: {  	p0 =	seq.s32 s10, $0x1;
	s10 =	sld [smem:$0x3FB8];
	_ =	sdelay $0x3  }
0x34: {  	[smem:$0x3FB8] =	sst s10  }
0x35: {  	s10 =	sld [smem:$0x3FB7];
	_ =	sdelay $0x3  }
0x36: {  	p1 =	seq.s32 s10, $0x1;
	s10 =	sld [smem:$0x3FB8];
	_ =	sdelay $0x3  }
0x37: {  	[smem:$0x3FB8] =	sst s10  }
0x38: {  	s10 =	sld [smem:$0x3FB9]  }
0x39: {  	_ = 	snop;
	(pc) =	sbr.ind lr, $3  }
0x3a: {  	_ = 	snop  }
0x3b: {  	_ = 	snop  }
0x3c: {  	p2 =	seq.s32 s10, $0x1;
	s10 =	sld [smem:$0x3FB8]  }
0x3d: {  	_ =	shalt  }
0x3e: {  	_ =	shalt  }
0x3f: {  	_ =	shalt  }
0x40: {  	_ =	shalt  }
0x41: {  	_ =	shalt  }
0x42: {  	_ =	shalt  }
0x43: {  	_ =	shalt  }
0x44: {  	_ =	shalt  }
0x45: {  	_ =	shalt  }
0x46: {  	_ =	shalt  }
0x47: {  	_ =	shalt  }
0x48: {  	_ =	shalt  }
0x49: {  	_ =	shalt  }
0x4a: {  	_ =	shalt  }
0x4b: {  	_ =	shalt  }
0x4c: {  	_ =	shalt  }
0x4d: {  	_ =	shalt  }
0x4e: {  	_ =	shalt  }
0x4f: {  	_ =	shalt  }
0x50: {  	_ =	shalt  }
0x51: {  	_ =	shalt  }
0x52: {  	_ =	shalt  }
0x53: {  	_ =	shalt  }
0x54: {  	_ =	shalt  }
0x55: {  	_ =	shalt  }
0x56: {  	_ =	shalt  }
0x57: {  	_ =	shalt  }
0x58: {  	_ =	shalt  }
0x59: {  	_ =	shalt  }
0x5a: {  	_ =	shalt  }
0x5b: {  	_ =	shalt  }
0x5c: {  	_ =	shalt  }
0x5d: {  	_ =	shalt  }
0x5e: {  	_ =	shalt  }
0x5f: {  	_ =	shalt  }
0x60: {  	_ =	shalt  }
0x61: {  	_ =	shalt  }
0x62: {  	_ =	shalt  }
0x63: {  	_ =	shalt  }
0x64: {  	_ =	shalt  }
0x65: {  	_ =	shalt  }
0x66: {  	_ =	shalt  }
0x67: {  	_ =	shalt  }
0x68: {  	_ =	shalt  }
0x69: {  	_ =	shalt  }
0x6a: {  	_ =	shalt  }
0x6b: {  	_ =	shalt  }
0x6c: {  	_ =	shalt  }
0x6d: {  	_ =	shalt  }
0x6e: {  	_ =	shalt  }
0x6f: {  	_ =	shalt  }
0x70: {  	_ =	shalt  }
0x71: {  	_ =	shalt  }
0x72: {  	_ =	shalt  }
0x73: {  	_ =	shalt  }
0x74: {  	_ =	shalt  }
0x75: {  	_ =	shalt  }
0x76: {  	_ =	shalt  }
0x77: {  	_ =	shalt  }
0x78: {  	_ =	shalt  }
0x79: {  	_ =	shalt  }
0x7a: {  	_ =	shalt  }
0x7b: {  	_ =	shalt  }
0x7c: {  	_ =	shalt  }
0x7d: {  	_ =	shalt  }
0x7e: {  	_ =	shalt  }
0x7f: {  	_ =	shalt  }
0x80: {  	_ =	shalt  }
0x81: {  	_ =	shalt  }
0x82: {  	_ =	shalt  }
0x83: {  	_ =	shalt  }
0x84: {  	_ =	shalt  }
0x85: {  	_ =	shalt  }
0x86: {  	_ =	shalt  }
0x87: {  	_ =	shalt  }
.Lfunc_end0:
.L_simem_size_0:
called_computation.1_lowered:
.L_overlay_start_0:
0x88: {  	s2 =	sld [smem:$0x3FD9]  }
0x89: {  	s3 =	sld [smem:$0x3FFE];
	_ =	sdelay $0x1  }
0x8a: {  	s1 =	srdreg.scid  }
0x8b: {  	s0 =	sand.u32 $0x1, s1  }
0x8c: {  	s17 =	sshll.u32 s0, $0xA;
	s2 =	sadd.s32 s3, s2  }
0x8d: {  	s2 =	sadd.s32 s2, s17  }
0x8e: {  	[smem:$0x3FC4] =	sst s2  }
0x8f: {  	_ = 	snop  }
0x90: {  	s2 =	sld [smem:$0x3FD0];
	(tm) =	ssettm $0x1  }
0x91: {  	s18 =	sld [smem:$0x3FFB];
	_ =	sdelay $0x3  }
0x92: {  	_ =	strace s18  }
0x93: {  	s3 =	sld [smem:$0x3FFC];
	_ =	sdelay $0x3  }
0x94: {  	_ =	strace s3  }
0x95: {  	s3 =	sld [smem:$0x3FFD];
	_ =	sdelay $0x3  }
0x96: {  	_ =	strace s3  }
0x97: {  	_ =	strace $0x8FFFFFFF  }
0x98: {  	s19 =	sld [smem:$0x3FDB];
	_ =	sdelay $0x1  }
0x99: {  	s4 =	simm.s32 $_scs_section_size  }
0x9a: {  	s5 =	simm.s32 $_size__tile_overlayer_lowered;
	s6 =	simm.s32 $_tile_overlayer_lowered  }
0x9b: {  	s22 =	simm.s32 $0x1BFF;
	s21 =	sshll.u32 s6, $0x1;
	s3 =	sadd.s32 s4, s19  }
0x9c: {  	s7 =	simm.s32 $0x0;
	s20 =	sshll.u32 s5, $0x1;
	s5 =	sadd.s32 s21, s3  }
0x9d: {  	[timem:s7], [sflag:s22] =	dma.local [hbm:s5], s20  }
0x9e: {  	_ =	swait.ge [sflag:s22], s20  }
0x9f: {  	s4 =	ssub.s32 $0x0, s20;
	[sflag:s22] =	ssyncset.done $0x0  }
0xa0: {  	[sflag:s22] =	ssyncadd.s32 s4;
	_ =	sdelay $0x1  }
0xa1: {  	s23 =	simm.s32 $0x1B8B  }
0xa2: {  	_ =	swait.ge [sflag:s23], $0x1  }
0xa3: {  	[sflag:s23] =	ssyncset.done $0x0  }
0xa4: {  	s25 =	simm.s32 $0x1B8E;
	s24 =	sld [smem:$0x3FFE];
	[sflag:s23] =	ssyncadd.s32 $0xFFFFFFFF  }
0xa5: {  	s26 =	simm.s32 $execute0_lowered;
	[smem:$0x3FD2] =	sst s25  }
0xa6: {  	s5 =	sshll.u32 s26, $0x1;
	_ =	strace $0x80000049;
	[dreg:$0x1] =	wrdreg $0xFFFFFFFF  }
0xa7: {  	s28 =	simm.s32 $_size_execute0_lowered;
	s3 =	sadd.s32 s3, s5;
	[dreg:$0x0] =	wrdreg $0x0  }
0xa8: {  	s5 =	sshll.u32 s28, $0x1;
	[dreg:$0x2] =	wrdreg s3  }
0xa9: {  	[dreg:$0x3] =	wrdreg s5  }
0xaa: {  	[dreg:$0x4] =	wrdreg $0xC0  }
0xab: {  	_ =	task [dreg:s7], $0x5FFFF  }
0xac: {  	[dreg:$0x1] =	wrdreg $0xFFFFFFFF  }
0xad: {  	[dreg:$0x0] =	wrdreg $0x60  }
0xae: {  	[dreg:$0x2] =	wrdreg s24  }
0xaf: {  	[dreg:$0x3] =	wrdreg s2  }
0xb0: {  	[dreg:$0x4] =	wrdreg $0x88000  }
0xb1: {  	[dreg:$0x5] =	wrdreg $0x9  }
0xb2: {  	_ =	task.clear_ibuf [dreg:s7], $0x6FFFF;
	_ =	strace $0x90000049  }
0xb3: {  	s29 =	simm.s32 $0x9;
	_ =	strace $0x8000004B  }
0xb4: {  	_ =	swait.ge [sflag:s29], $0x1  }
0xb5: {  	[sflag:s29] =	ssyncadd.s32 $0xFFFFFFFF  }
0xb6: {  	_ =	strace $0x9000004B  }
0xb7: {  	_ =	sfence  }
0xb8: {  	s30 =	sld [smem:$0x0];
	_ =	sdelay $0x2  }
0xb9: {  	s31 =	sshll.u32 s1, $0xD;
	s1 =	sshrl.u32 s1, $0x2  }
0xba: {  	s3 =	sand.u32 $0x4000, s31;
	s1 =	sadd.s32 s1, s30  }
0xbb: {  	s0 =	sor.u32 s3, s0;
	s1 =	sshll.u32 s1, $0x11  }
0xbc: {  	s0 =	sor.u32 s1, s0  }
0xbd: {  	s0 =	sadd.s32 $0x8F2B, s0  }
0xbe: {  	[sflag:s0] =	ssyncadd.remote.s32 $0x1  }
0xbf: {  	_ =	sfence.sel $0xFFFF  }
0xc0: {  	[dreg:$0x0] =	wrdreg $0xFFFFFFFF;
	(pc) =	sbr.abs _section_cstart, $3  }
0xc1: {  	[dreg:$0x1] =	wrdreg $0xFFFFFFFF  }
0xc2: {  	_ =	task.clear_ibuf [dreg:s7], $0x2FFFF;
	_ =	strace $0x9FFFFFFF  }
0xc3: {  	(tm) =	ssettm $0x7FFFFFFF  }
tec
execute0_lowered:
.L_overlay_start_1:
0x0: {  	(tag) =	ssettag $0x1  }
0x1: {  	s0 =	rddreg [dreg:$0x0];
	s1 =	srdreg.scid  }
0x2: {  	s2 =	rddreg [dreg:$0x1];
	s11 =	stileid.u32  }
0x3: {  	s3 =	rddreg [dreg:$0x2];
	s4 =	simm.s32 $0x0;
	s12 =	simm.s32 $0x2  }
0x4: {  	s13 =	simm.s32 $0x400;
	s14 =	simm.s32 $0x80;
	s15 =	simm.s32 $0x800  }
0x5: {  	s16 =	simm.s32 $0x4800;
	s17 =	simm.s32 $0x1;
	s18 =	simm.s32 $0x480  }
0x6: {  	s19 =	simm.s32 $0x100;
	s20 =	simm.s32 $0x180;
	s6 =	smul.u32 $0x4C00, s11  }
0x7: {  	s28 =	simm.s32 $0x300;
	s29 =	simm.s32 $0x380;
	s21 =	smul.u32 $0x14000, s11  }
0x8: {  	s30 =	simm.s32 $0x700;
	s1 =	sand.u32 $0x1, s1;
	s8 =	smul.u32 $0x50000, s11  }
0x9: {  	s31 =	simm.s32 $0x780;
	[smem:$0x7FF] =	sst s4;
	s5 =	smul.u32 $0x4C000, s1  }
0xa: {  	s26 =	sshll.u32 s11, $0x6;
	s7 =	smul.u32 $0x140000, s1;
	_ =	strace $0x8000004A  }
0xb: {  	s23 =	ssub.s32 $0x2, s1;
	p0 =	sne.s32 s1, $0x0;
	s1 =	simm.s32 $0x0  }
0xc: {  	s22 =	sshrl.u32 s21, $0x3;
	s10 =	sshrl.u32 s23, $0x1;
	s24 =	sshrl.u32 s8, $0x2  }
0xd: {  	s5 =	sadd.s32 s6, s5;
	s6 =	sadd.s32 s21, s7;
	s7 =	ssub.s32 s23, s10  }
0xe: {  	s25 =	sadd.s32 s24, s3;
	s21 =	simm.s32 $0x500;
	s23 =	simm.s32 $0x200  }
0xf: {  	s24 =	simm.s32 $0x280;
	s5 =	sshrl.u32 s5, $0x3;
	s6 =	sshrl.u32 s6, $0x3  }
0x10: {  	s8 =	smax.u32 s7, $0x1;
	s11 =	sshrl.u32 s25, $0x3;
	s25 =	simm.s32 $0x600  }
0x11: {  	s9 =	sadd.s32 s5, s0;
	s5 =	sadd.s32 s22, s0;
	s0 =	sadd.s32 s6, s0  }
0x12: {  	s6 =	sor.u32 $0x1C02, s26;
	s22 =	simm.s32 $0x580;
	s5 =	sadd.s32 $0x2000, s5  }
0x13: {  	s26 =	simm.s32 $0x680;
	s0 =	sadd.s32 $0xA0000, s0;
	[dreg:$0x4] =	wrdreg s5  }
0x14: {  	[dreg:$0x5] =	wrdreg s0;
	s5 =	sadd.s32 $0x7A000, s9;
	s0 =	sadd.s32 $0x8D000, s9  }
.LBB2_1:
0x15: {  	s7 =	rddreg [dreg:$0x4]  }
0x16: {  	[spmem:s11], [sflag:s6] =	dma.local [hbm:s7], $0x2800  }
0x17: {  	_ =	swait.ge [sflag:s12], $0x2800  }
0x18: {  	[sflag:s12] =	ssyncset.done $0x0  }
0x19: {  	s10 =	smov.u32 s0;
	[sflag:s12] =	ssyncadd.s32 $0xFFFFD800  }
0x1a: {  	s9 =	smov.u32 s5;
	s7 =	simm.s32 $0x0;
	[bflag:$0x0] =	sbarrier.arrive $0xFFFF  }
.LBB2_2:
0x1b: {  	[tilespmem:s4], [sflag:$0x2] =	stream.linear.gather [hbm4b:s10+s4], $0x400, $0x38;
	[tilespmem:$0x1C800] =	vst v63  }
0x1c: {  	_ =	swait.ge [sflag:s12], $0x400  }
0x1d: {  	[sflag:s12] =	ssyncset.done $0x0  }
0x1e: {  	[sflag:s12] =	ssyncadd.s32 $0xFFFFFC00  }
0x1f: {  	[tilespmem:s13], [sflag:$0x2] =	stream.linear.gather [hbm4b:s9+s4], $0x400, $0x38;
	[tilespmem:$0x1C800] =	vst v63  }
0x20: {  	_ =	swait.ge [sflag:s12], $0x400  }
0x21: {  	[sflag:s12] =	ssyncset.done $0x0  }
0x22: {  	[sflag:s12] =	ssyncadd.s32 $0xFFFFFC00  }
0x23: {  	[tilespmem:s15], [sflag:$0x1] =	stream.indirect.gather [hbm4b:s2+s14], $0x80, s4, s14, $0xb8;
	[tilespmem:$0x1C800] =	vst v63  }
0x24: {  	_ = 	snop  }
0x25: {  	[tilespmem:s16], [sflag:$0x1] =	stream.indirect.gather [hbm4b:s2+s14], $0x80, s14, s14, $0xb8;
	[tilespmem:$0x1C800] =	vst v63  }
0x26: {  	_ =	swait.ge [sflag:s17], $0x4000  }
0x27: {  	[sflag:s17] =	ssyncset.done $0x0  }
0x28: {  	[sflag:s17] =	ssyncadd.s32 $0xFFFFC000  }
0x29: {  	_ =	swait.ge [sflag:s17], $0x4000  }
0x2a: {  	[sflag:s17] =	ssyncset.done $0x0  }
0x2b: {  	[sflag:s17] =	ssyncadd.s32 $0xFFFFC000  }
0x2c: {  	[spmem:s3] =	stream.indirect.scatter.add.f32 [tilespmem:s15], [sflag:$0x2], $0x80, s13, s14, $0xb8;
	[tilespmem:$0x1C800] =	vst v63  }
0x2d: {  	_ =	swait.ge [sflag:s12], $0x4000  }
0x2e: {  	[sflag:s12] =	ssyncset.done $0x0  }
0x2f: {  	[sflag:s12] =	ssyncadd.s32 $0xFFFFC000  }
0x30: {  	[spmem:s3] =	stream.indirect.scatter.add.f32 [tilespmem:s16], [sflag:$0x2], $0x80, s18, s14, $0xb8;
	[tilespmem:$0x1C800] =	vst v63  }
0x31: {  	_ =	swait.ge [sflag:s12], $0x4000  }
0x32: {  	[sflag:s12] =	ssyncset.done $0x0  }
0x33: {  	[sflag:s12] =	ssyncadd.s32 $0xFFFFC000  }
0x34: {  	[tilespmem:s15], [sflag:$0x1] =	stream.indirect.gather [hbm4b:s2+s14], $0x80, s19, s14, $0xb8;
	[tilespmem:$0x1C800] =	vst v63  }
0x35: {  	_ = 	snop  }
0x36: {  	[tilespmem:s16], [sflag:$0x1] =	stream.indirect.gather [hbm4b:s2+s14], $0x80, s20, s14, $0xb8;
	[tilespmem:$0x1C800] =	vst v63  }
0x37: {  	_ =	swait.ge [sflag:s17], $0x4000  }
0x38: {  	[sflag:s17] =	ssyncset.done $0x0  }
0x39: {  	[sflag:s17] =	ssyncadd.s32 $0xFFFFC000  }
0x3a: {  	_ =	swait.ge [sflag:s17], $0x4000  }
0x3b: {  	[sflag:s17] =	ssyncset.done $0x0  }
0x3c: {  	[sflag:s17] =	ssyncadd.s32 $0xFFFFC000  }
0x3d: {  	[spmem:s3] =	stream.indirect.scatter.add.f32 [tilespmem:s15], [sflag:$0x2], $0x80, s21, s14, $0xb8;
	[tilespmem:$0x1C800] =	vst v63  }
0x3e: {  	_ =	swait.ge [sflag:s12], $0x4000  }
0x3f: {  	[sflag:s12] =	ssyncset.done $0x0  }
0x40: {  	[sflag:s12] =	ssyncadd.s32 $0xFFFFC000  }
0x41: {  	[spmem:s3] =	stream.indirect.scatter.add.f32 [tilespmem:s16], [sflag:$0x2], $0x80, s22, s14, $0xb8;
	[tilespmem:$0x1C800] =	vst v63  }
0x42: {  	_ =	swait.ge [sflag:s12], $0x4000  }
0x43: {  	[sflag:s12] =	ssyncset.done $0x0  }
0x44: {  	[sflag:s12] =	ssyncadd.s32 $0xFFFFC000  }
0x45: {  	[tilespmem:s15], [sflag:$0x1] =	stream.indirect.gather [hbm4b:s2+s14], $0x80, s23, s14, $0xb8;
	[tilespmem:$0x1C800] =	vst v63  }
0x46: {  	_ = 	snop  }
0x47: {  	[tilespmem:s16], [sflag:$0x1] =	stream.indirect.gather [hbm4b:s2+s14], $0x80, s24, s14, $0xb8;
	[tilespmem:$0x1C800] =	vst v63  }
0x48: {  	_ =	swait.ge [sflag:s17], $0x4000  }
0x49: {  	[sflag:s17] =	ssyncset.done $0x0  }
0x4a: {  	[sflag:s17] =	ssyncadd.s32 $0xFFFFC000  }
0x4b: {  	_ =	swait.ge [sflag:s17], $0x4000  }
0x4c: {  	[sflag:s17] =	ssyncset.done $0x0  }
0x4d: {  	[sflag:s17] =	ssyncadd.s32 $0xFFFFC000  }
0x4e: {  	[spmem:s3] =	stream.indirect.scatter.add.f32 [tilespmem:s15], [sflag:$0x2], $0x80, s25, s14, $0xb8;
	[tilespmem:$0x1C800] =	vst v63  }
0x4f: {  	_ =	swait.ge [sflag:s12], $0x4000  }
0x50: {  	[sflag:s12] =	ssyncset.done $0x0  }
0x51: {  	[sflag:s12] =	ssyncadd.s32 $0xFFFFC000  }
0x52: {  	[spmem:s3] =	stream.indirect.scatter.add.f32 [tilespmem:s16], [sflag:$0x2], $0x80, s26, s14, $0xb8;
	[tilespmem:$0x1C800] =	vst v63  }
0x53: {  	_ =	swait.ge [sflag:s12], $0x4000  }
0x54: {  	[sflag:s12] =	ssyncset.done $0x0  }
0x55: {  	[sflag:s12] =	ssyncadd.s32 $0xFFFFC000  }
0x56: {  	[tilespmem:s15], [sflag:$0x1] =	stream.indirect.gather [hbm4b:s2+s14], $0x80, s28, s14, $0xb8;
	[tilespmem:$0x1C800] =	vst v63  }
0x57: {  	_ = 	snop  }
0x58: {  	[tilespmem:s16], [sflag:$0x1] =	stream.indirect.gather [hbm4b:s2+s14], $0x80, s29, s14, $0xb8;
	[tilespmem:$0x1C800] =	vst v63  }
0x59: {  	_ =	swait.ge [sflag:s17], $0x4000  }
0x5a: {  	[sflag:s17] =	ssyncset.done $0x0  }
0x5b: {  	[sflag:s17] =	ssyncadd.s32 $0xFFFFC000  }
0x5c: {  	_ =	swait.ge [sflag:s17], $0x4000  }
0x5d: {  	[sflag:s17] =	ssyncset.done $0x0  }
0x5e: {  	[sflag:s17] =	ssyncadd.s32 $0xFFFFC000  }
0x5f: {  	[spmem:s3] =	stream.indirect.scatter.add.f32 [tilespmem:s15], [sflag:$0x2], $0x80, s30, s14, $0xb8;
	[tilespmem:$0x1C800] =	vst v63  }
0x60: {  	p1 =	slt.u32 @!p0 s7, $0x12;
	_ =	swait.ge [sflag:s12], $0x4000  }
0x61: {  	p1 =	por p0, !p1;
	[sflag:s12] =	ssyncset.done $0x0  }
.Ltmp0:
0x62: {  	[sflag:s12] =	ssyncadd.s32 $0xFFFFC000;
	(pc) =	sbr.rel @!p1 .LBB2_2-.Ltmp0, $4  }
0x63: {  	[spmem:s3] =	stream.indirect.scatter.add.f32 [tilespmem:s16], [sflag:$0x2], $0x80, s31, s14, $0xb8;
	[tilespmem:$0x1C800] =	vst v63  }
0x64: {  	_ =	swait.ge [sflag:s12], $0x4000  }
0x65: {  	s7 =	sadd.s32 $0x1, s7;
	[sflag:s12] =	ssyncset.done $0x0  }
0x66: {  	s10 =	sadd.s32 $0x80, s10;
	s9 =	sadd.s32 $0x80, s9;
	[sflag:s12] =	ssyncadd.s32 $0xFFFFC000  }
0x67: {  	s1 =	sadd.s32 $0x1, s1  }
0x68: {  	[bflag:$0x0] =	sbarrier.arrive $0xFFFF;
	p1 =	sne.s32 s1, s8  }
.Ltmp1:
0x69: {  	s7 =	rddreg [dreg:$0x5];
	(pc) =	sbr.rel @p1 .LBB2_1-.Ltmp1, $4  }
0x6a: {  	[hbm:s7], [sflag:s6] =	dma.local [spmem:s11], $0x2800  }
0x6b: {  	_ =	swait.ge [sflag:s12], $0x2800  }
0x6c: {  	[sflag:s12] =	ssyncset.done $0x0  }
0x6d: {  	[sflag:s12] =	ssyncadd.s32 $0xFFFFD800  }
0x6e: {  	_ =	sfence.sel $0x180000  }
0x6f: {  	[bflag:$0x0] =	sbarrier.arrive $0xFFFF  }
0x70: {  	_ =	strace $0x9000004A  }
0x71: {  	s0 =	stileid.u32;
	[bflag:$0x2] =	sbarrier.arrive $0xFFFF  }
0x72: {  	p0 =	sne.s32 s0, $0x0;
	s0 =	rddreg [dreg:$0x3]  }
0x73: {  	s0 =	sadd.s32 @!p0 $0x100000, s0  }
0x74: {  	[sflag:s0] =	ssyncadd.tile.s32 @!p0 $0x1;
	_ =	shalt  }
.Lfunc_end2:
_tile_overlayer_lowered:
.L_overlay_start_2:
0x75: {  	(tag) =	ssettag $0x2  }
0x76: {  	s0 =	rddreg [dreg:$0x0];
	s2 =	stileid.u32  }
0x77: {  	s1 =	rddreg [dreg:$0x1];
	p0 =	sne.s32 s2, $0x0  }
0x78: {  	s3 =	rddreg [dreg:$0x2];
	[bflag:$0x3] =	sbarrier.arrive $0xFFFF;
	s2 =	simm.s32 @!p0 $0x1C02  }
0x79: {  	[timem:s3], [sflag:s2] =	dma.local @!p0 [hbm:s0], s1  }
0x7a: {  	s0 =	simm.s32 @!p0 $0x2  }
0x7b: {  	_ =	swait.ge @!p0 [sflag:s0], s1  }
0x7c: {  	s1 =	ssub.s32 @!p0 $0x0, s1;
	[sflag:s0] =	ssyncset.done @!p0 $0x0  }
0x7d: {  	[sflag:s0] =	ssyncadd.s32 @!p0 s1  }
0x7e: {  	[bflag:$0x3] =	sbarrier.arrive $0xFFFF  }
0x7f: {  	_ =	shalt  }

</sc_bundles>
